<compile_context>
chip_gen: v7x
topology: tpu7x:2x2x1
jax: 0.10.2.dev20260603
libtpu: 0.0.44.dev20260713+nightly
codegen_flags: <defaults>
</compile_context>

<pallas_src>
import functools

import jax
import jax.numpy as jnp
from jax import lax
from jax.experimental import pallas as pl
from jax.experimental.pallas import tpu as pltpu
from jax.experimental.pallas import tpu_sc as plsc

DIM = 2048
SEQ = 8192
SCALE = DIM ** (-0.5)

NC = 2
NS = 16
NW = NC * NS

ROWS_W = SEQ // NW
CROWS = 16
NCHUNK = ROWS_W // CROWS
NBUF = 3
LANES = 16
VECS = CROWS * DIM // LANES

_mesh = plsc.VectorSubcoreMesh(core_axis_name="c", subcore_axis_name="s")


@functools.partial(
    pl.kernel,
    out_type=jax.ShapeDtypeStruct((SEQ, DIM), jnp.float32),
    mesh=_mesh,
    scratch_types=[
        pltpu.VMEM((CROWS, DIM), jnp.float32),
        pltpu.VMEM((CROWS, DIM), jnp.float32),
        pltpu.VMEM((CROWS, DIM), jnp.float32),
        pltpu.SemaphoreType.DMA,
        pltpu.SemaphoreType.DMA,
        pltpu.SemaphoreType.DMA,
        pltpu.SemaphoreType.DMA,
        pltpu.SemaphoreType.DMA,
        pltpu.SemaphoreType.DMA,
    ],
)
def _scale_copy_sc(emb_hbm, out_hbm, b0, b1, b2, g0, g1, g2, s0, s1, s2):
    wid = lax.axis_index("s") * NC + lax.axis_index("c")
    row0 = pl.multiple_of(wid * ROWS_W, CROWS)

    bufs = (b0, b1, b2)
    gsem = (g0, g1, g2)
    ssem = (s0, s1, s2)

    def gather(k, s):
        return pltpu.async_copy(
            emb_hbm.at[pl.ds(row0 + k * CROWS, CROWS), :], bufs[s], gsem[s])

    def scatter(k, s):
        return pltpu.async_copy(
            bufs[s], out_hbm.at[pl.ds(row0 + k * CROWS, CROWS), :], ssem[s])

    def compute(buf):
        @plsc.parallel_loop(0, VECS, step=1, unroll=8)
        def _(i):
            r = i >> 7
            c = (i & 127) * LANES
            buf[r, pl.ds(c, LANES)] = buf[r, pl.ds(c, LANES)] * SCALE

    g = [None] * NBUF
    sc = [None] * NBUF
    g[0] = gather(0, 0)
    g[1] = gather(1, 1)
    for k in range(NCHUNK):
        s = k % NBUF
        g[s].wait()
        compute(bufs[s])
        if k + 2 < NCHUNK:
            s2 = (k + 2) % NBUF
            g[s2] = gather(k + 2, s2)


def kernel(x, emb):
    del x
    return _scale_copy_sc(emb)[None, :, :]

# --- scband reference (transcript-rebuilt; emitter-appended) ---
"""Pipeline reference for scband-absolute-positional-embedding-30923764531927 (READ-ONLY COPY).

The authoritative reference and input builder live on the scoring server;
editing this copy changes nothing except your own understanding.
"""

import jax, jax.numpy as jnp
import numpy as np

DIM = 2048
MAX_SEQ_LEN = 8192
SCALE = DIM ** (-0.5)


def setup_inputs(seed: int = 0) -> dict:
    key = jax.random.key(seed)
    k1, k2 = jax.random.split(key)
    x = jax.random.randint(k1, (4, 8192), 0, 8192, dtype=jnp.int64 if jax.config.jax_enable_x64 else jnp.int32)
    emb = jax.random.normal(k2, (MAX_SEQ_LEN, DIM), dtype=jnp.float32)
    return {"x": x, "emb": emb}


def reference(x, emb):
    # n = torch.arange(x.shape[1])
    n = jnp.arange(x.shape[1])
    # pos_emb = self.emb(n)  -> embedding gather
    pos_emb = jnp.take(emb, n, axis=0)
    # rearrange 'n d -> () n d'
    pos_emb = pos_emb[None, :, :]
    return pos_emb * SCALE

if __name__ == "__main__":
    import jax
    _d = setup_inputs()
    print(jax.jit(kernel)(*tuple(_d.values())))

</pallas_src>

<mosaic_0001>
#map = affine_map<(d0, d1) -> (0, 0)>
module attributes {stable_mosaic.version = 14 : i64} {
  func.func @_scale_copy_sc(%arg0: i32, %arg1: i32, %arg2: memref<8192x2048xf32, #tpu.memory_space<hbm>>, %arg3: memref<8192x2048xf32, #tpu.memory_space<hbm>>, %arg4: memref<16x2048xf32, #tpu.memory_space<vmem>>, %arg5: memref<16x2048xf32, #tpu.memory_space<vmem>>, %arg6: memref<16x2048xf32, #tpu.memory_space<vmem>>, %arg7: memref<!tpu.dma_semaphore, #tpu.memory_space<semaphore_mem>>, %arg8: memref<!tpu.dma_semaphore, #tpu.memory_space<semaphore_mem>>, %arg9: memref<!tpu.dma_semaphore, #tpu.memory_space<semaphore_mem>>, %arg10: memref<!tpu.dma_semaphore, #tpu.memory_space<semaphore_mem>>, %arg11: memref<!tpu.dma_semaphore, #tpu.memory_space<semaphore_mem>>, %arg12: memref<!tpu.dma_semaphore, #tpu.memory_space<semaphore_mem>>) attributes {dimension_semantics = [#tpu.dimension_semantics<core_parallel>, #tpu.dimension_semantics<subcore_parallel>], iteration_bounds = array<i64: 2, 16>, scalar_prefetch = 0 : i64, scratch_operands = 9 : i64, tpu.core_type = #tpu.core_type<sc_vector_subcore>, window_params = [{transform_indices = #map}, {transform_indices = #map}]} {
    %mul3A = arith.constant 2 : i32
    %mul3A_0 = arith.muli %arg1, %mul3A : i32
    %add3A = arith.addi %mul3A_0, %arg0 : i32
    %mul3A_1 = arith.constant 256 : i32
    %mul3A_2 = arith.muli %add3A, %mul3A_1 : i32
    %multiple_of3A = tpu.assume_multiple %mul3A_2, 16 : i32
    %add3A_3 = arith.constant 0 : i32
    %add3A_4 = arith.addi %multiple_of3A, %add3A_3 : i32
    %dma_start3A = arith.constant 0 : i32
    %dma_start3A_5 = tpu.memref_slice %arg2[%add3A_4, %dma_start3A] : memref<8192x2048xf32, #tpu.memory_space<hbm>> -> memref<16x2048xf32, #tpu.memory_space<hbm>>
    %dma_start3A_6 = arith.constant 0 : i32
    %dma_start3A_7 = tpu.memref_slice %arg2[%add3A_4, %dma_start3A_6] : memref<8192x2048xf32, #tpu.memory_space<hbm>> -> memref<16x2048xf32, #tpu.memory_space<hbm>>
    tpu.enqueue_dma source(%dma_start3A_7 : memref<16x2048xf32, #tpu.memory_space<hbm>>) target(%arg4 : memref<16x2048xf32, #tpu.memory_space<vmem>>) target_semaphore(%arg7 : memref<!tpu.dma_semaphore, #tpu.memory_space<semaphore_mem>>)
    %add3A_8 = arith.constant 16 : i32
    %add3A_9 = arith.addi %multiple_of3A, %add3A_8 : i32
    %dma_start3A_10 = arith.constant 0 : i32
    %dma_start3A_11 = tpu.memref_slice %arg2[%add3A_9, %dma_start3A_10] : memref<8192x2048xf32, #tpu.memory_space<hbm>> -> memref<16x2048xf32, #tpu.memory_space<hbm>>
    %dma_start3A_12 = arith.constant 0 : i32
    %dma_start3A_13 = tpu.memref_slice %arg2[%add3A_9, %dma_start3A_12] : memref<8192x2048xf32, #tpu.memory_space<hbm>> -> memref<16x2048xf32, #tpu.memory_space<hbm>>
    tpu.enqueue_dma source(%dma_start3A_13 : memref<16x2048xf32, #tpu.memory_space<hbm>>) target(%arg5 : memref<16x2048xf32, #tpu.memory_space<vmem>>) target_semaphore(%arg8 : memref<!tpu.dma_semaphore, #tpu.memory_space<semaphore_mem>>)
    %dma_wait3A = arith.constant 0 : i32
    %dma_wait3A_14 = tpu.memref_slice %arg2[%add3A_4, %dma_wait3A] : memref<8192x2048xf32, #tpu.memory_space<hbm>> -> memref<16x2048xf32, #tpu.memory_space<hbm>>
    %dma_wait3A_15 = arith.constant 0 : i32
    %dma_wait3A_16 = tpu.memref_slice %arg2[%add3A_4, %dma_wait3A_15] : memref<8192x2048xf32, #tpu.memory_space<hbm>> -> memref<16x2048xf32, #tpu.memory_space<hbm>>
    tpu.wait_dma2 semaphore(%arg7 : memref<!tpu.dma_semaphore, #tpu.memory_space<semaphore_mem>>) src(%dma_wait3A_16 : memref<16x2048xf32, #tpu.memory_space<hbm>>) dst(%arg4 : memref<16x2048xf32, #tpu.memory_space<vmem>>)
    %parallel_loop3A = arith.constant 0 : i32
    %parallel_loop3A_17 = arith.constant 2048 : i32
    %parallel_loop3A_18 = arith.constant 1 : i32
    scf.for %parallel_loop3A_208 = %parallel_loop3A to %parallel_loop3A_17 step %parallel_loop3A_18  : i32 {
      %parallel_loop3A_209 = arith.constant 7 : i32
      %parallel_loop3A_210 = arith.shrsi %parallel_loop3A_208, %parallel_loop3A_209 : i32
      %parallel_loop3A_211 = arith.constant 127 : i32
      %parallel_loop3A_212 = arith.andi %parallel_loop3A_208, %parallel_loop3A_211 : i32
      %parallel_loop3A_213 = arith.constant 16 : i32
      %parallel_loop3A_214 = arith.muli %parallel_loop3A_212, %parallel_loop3A_213 : i32
      %parallel_loop3A_215 = arith.index_cast %parallel_loop3A_210 : i32 to index
      %parallel_loop3A_216 = arith.index_cast %parallel_loop3A_214 : i32 to index
      %parallel_loop3A_217 = tpu.vector_load %arg4[%parallel_loop3A_215, %parallel_loop3A_216] {strides = array<i32>} : memref<16x2048xf32, #tpu.memory_space<vmem>>, vector<1x16xf32>,
      %parallel_loop3A_218 = vector.shape_cast %parallel_loop3A_217 : vector<1x16xf32> to vector<16xf32>
      %parallel_loop3A_219 = arith.constant 0.0220970865 : f32
      %parallel_loop3A_220 = vector.broadcast %parallel_loop3A_219 : f32 to vector<16xf32>
      %parallel_loop3A_221 = arith.mulf %parallel_loop3A_218, %parallel_loop3A_220 : vector<16xf32>
      %parallel_loop3A_222 = arith.index_cast %parallel_loop3A_210 : i32 to index
      %parallel_loop3A_223 = arith.index_cast %parallel_loop3A_214 : i32 to index
      %parallel_loop3A_224 = tpu.vector_load %arg4[%parallel_loop3A_222, %parallel_loop3A_223] {strides = array<i32>} : memref<16x2048xf32, #tpu.memory_space<vmem>>, vector<1x16xf32>,
      %parallel_loop3A_225 = vector.shape_cast %parallel_loop3A_224 : vector<1x16xf32> to vector<16xf32>
      %parallel_loop3A_226 = vector.shape_cast %parallel_loop3A_221 : vector<16xf32> to vector<1x16xf32>
      tpu.vector_store %arg4[%parallel_loop3A_222, %parallel_loop3A_223], %parallel_loop3A_226 {strides = array<i32>} : memref<16x2048xf32, #tpu.memory_space<vmem>>, vector<1x16xf32>,
    } {sc.loop_unroll_factor = 8 : i64, sc.parallel_access}
    %add3A_19 = arith.constant 32 : i32
    %add3A_20 = arith.addi %multiple_of3A, %add3A_19 : i32
    %dma_start3A_21 = arith.constant 0 : i32
    %dma_start3A_22 = tpu.memref_slice %arg2[%add3A_20, %dma_start3A_21] : memref<8192x2048xf32, #tpu.memory_space<hbm>> -> memref<16x2048xf32, #tpu.memory_space<hbm>>
    %dma_start3A_23 = arith.constant 0 : i32
    %dma_start3A_24 = tpu.memref_slice %arg2[%add3A_20, %dma_start3A_23] : memref<8192x2048xf32, #tpu.memory_space<hbm>> -> memref<16x2048xf32, #tpu.memory_space<hbm>>
    tpu.enqueue_dma source(%dma_start3A_24 : memref<16x2048xf32, #tpu.memory_space<hbm>>) target(%arg6 : memref<16x2048xf32, #tpu.memory_space<vmem>>) target_semaphore(%arg9 : memref<!tpu.dma_semaphore, #tpu.memory_space<semaphore_mem>>)
    %dma_wait3A_25 = arith.constant 0 : i32
    %dma_wait3A_26 = tpu.memref_slice %arg2[%add3A_9, %dma_wait3A_25] : memref<8192x2048xf32, #tpu.memory_space<hbm>> -> memref<16x2048xf32, #tpu.memory_space<hbm>>
    %dma_wait3A_27 = arith.constant 0 : i32
    %dma_wait3A_28 = tpu.memref_slice %arg2[%add3A_9, %dma_wait3A_27] : memref<8192x2048xf32, #tpu.memory_space<hbm>> -> memref<16x2048xf32, #tpu.memory_space<hbm>>
    tpu.wait_dma2 semaphore(%arg8 : memref<!tpu.dma_semaphore, #tpu.memory_space<semaphore_mem>>) src(%dma_wait3A_28 : memref<16x2048xf32, #tpu.memory_space<hbm>>) dst(%arg5 : memref<16x2048xf32, #tpu.memory_space<vmem>>)
    %parallel_loop3A_29 = arith.constant 0 : i32
    %parallel_loop3A_30 = arith.constant 2048 : i32
    %parallel_loop3A_31 = arith.constant 1 : i32
    scf.for %parallel_loop3A_208 = %parallel_loop3A_29 to %parallel_loop3A_30 step %parallel_loop3A_31  : i32 {
      %parallel_loop3A_209 = arith.constant 7 : i32
      %parallel_loop3A_210 = arith.shrsi %parallel_loop3A_208, %parallel_loop3A_209 : i32
      %parallel_loop3A_211 = arith.constant 127 : i32
      %parallel_loop3A_212 = arith.andi %parallel_loop3A_208, %parallel_loop3A_211 : i32
      %parallel_loop3A_213 = arith.constant 16 : i32
      %parallel_loop3A_214 = arith.muli %parallel_loop3A_212, %parallel_loop3A_213 : i32
      %parallel_loop3A_215 = arith.index_cast %parallel_loop3A_210 : i32 to index
      %parallel_loop3A_216 = arith.index_cast %parallel_loop3A_214 : i32 to index
      %parallel_loop3A_217 = tpu.vector_load %arg5[%parallel_loop3A_215, %parallel_loop3A_216] {strides = array<i32>} : memref<16x2048xf32, #tpu.memory_space<vmem>>, vector<1x16xf32>,
      %parallel_loop3A_218 = vector.shape_cast %parallel_loop3A_217 : vector<1x16xf32> to vector<16xf32>
      %parallel_loop3A_219 = arith.constant 0.0220970865 : f32
      %parallel_loop3A_220 = vector.broadcast %parallel_loop3A_219 : f32 to vector<16xf32>
      %parallel_loop3A_221 = arith.mulf %parallel_loop3A_218, %parallel_loop3A_220 : vector<16xf32>
      %parallel_loop3A_222 = arith.index_cast %parallel_loop3A_210 : i32 to index
      %parallel_loop3A_223 = arith.index_cast %parallel_loop3A_214 : i32 to index
      %parallel_loop3A_224 = tpu.vector_load %arg5[%parallel_loop3A_222, %parallel_loop3A_223] {strides = array<i32>} : memref<16x2048xf32, #tpu.memory_space<vmem>>, vector<1x16xf32>,
      %parallel_loop3A_225 = vector.shape_cast %parallel_loop3A_224 : vector<1x16xf32> to vector<16xf32>
      %parallel_loop3A_226 = vector.shape_cast %parallel_loop3A_221 : vector<16xf32> to vector<1x16xf32>
      tpu.vector_store %arg5[%parallel_loop3A_222, %parallel_loop3A_223], %parallel_loop3A_226 {strides = array<i32>} : memref<16x2048xf32, #tpu.memory_space<vmem>>, vector<1x16xf32>,
    } {sc.loop_unroll_factor = 8 : i64, sc.parallel_access}
    %add3A_32 = arith.constant 48 : i32
    %add3A_33 = arith.addi %multiple_of3A, %add3A_32 : i32
    %dma_start3A_34 = arith.constant 0 : i32
    %dma_start3A_35 = tpu.memref_slice %arg2[%add3A_33, %dma_start3A_34] : memref<8192x2048xf32, #tpu.memory_space<hbm>> -> memref<16x2048xf32, #tpu.memory_space<hbm>>
    %dma_start3A_36 = arith.constant 0 : i32
    %dma_start3A_37 = tpu.memref_slice %arg2[%add3A_33, %dma_start3A_36] : memref<8192x2048xf32, #tpu.memory_space<hbm>> -> memref<16x2048xf32, #tpu.memory_space<hbm>>
    tpu.enqueue_dma source(%dma_start3A_37 : memref<16x2048xf32, #tpu.memory_space<hbm>>) target(%arg4 : memref<16x2048xf32, #tpu.memory_space<vmem>>) target_semaphore(%arg7 : memref<!tpu.dma_semaphore, #tpu.memory_space<semaphore_mem>>)
    %dma_wait3A_38 = arith.constant 0 : i32
    %dma_wait3A_39 = tpu.memref_slice %arg2[%add3A_20, %dma_wait3A_38] : memref<8192x2048xf32, #tpu.memory_space<hbm>> -> memref<16x2048xf32, #tpu.memory_space<hbm>>
    %dma_wait3A_40 = arith.constant 0 : i32
    %dma_wait3A_41 = tpu.memref_slice %arg2[%add3A_20, %dma_wait3A_40] : memref<8192x2048xf32, #tpu.memory_space<hbm>> -> memref<16x2048xf32, #tpu.memory_space<hbm>>
    tpu.wait_dma2 semaphore(%arg9 : memref<!tpu.dma_semaphore, #tpu.memory_space<semaphore_mem>>) src(%dma_wait3A_41 : memref<16x2048xf32, #tpu.memory_space<hbm>>) dst(%arg6 : memref<16x2048xf32, #tpu.memory_space<vmem>>)
    %parallel_loop3A_42 = arith.constant 0 : i32
    %parallel_loop3A_43 = arith.constant 2048 : i32
    %parallel_loop3A_44 = arith.constant 1 : i32
    scf.for %parallel_loop3A_208 = %parallel_loop3A_42 to %parallel_loop3A_43 step %parallel_loop3A_44  : i32 {
      %parallel_loop3A_209 = arith.constant 7 : i32
      %parallel_loop3A_210 = arith.shrsi %parallel_loop3A_208, %parallel_loop3A_209 : i32
      %parallel_loop3A_211 = arith.constant 127 : i32
      %parallel_loop3A_212 = arith.andi %parallel_loop3A_208, %parallel_loop3A_211 : i32
      %parallel_loop3A_213 = arith.constant 16 : i32
      %parallel_loop3A_214 = arith.muli %parallel_loop3A_212, %parallel_loop3A_213 : i32
      %parallel_loop3A_215 = arith.index_cast %parallel_loop3A_210 : i32 to index
      %parallel_loop3A_216 = arith.index_cast %parallel_loop3A_214 : i32 to index
      %parallel_loop3A_217 = tpu.vector_load %arg6[%parallel_loop3A_215, %parallel_loop3A_216] {strides = array<i32>} : memref<16x2048xf32, #tpu.memory_space<vmem>>, vector<1x16xf32>,
      %parallel_loop3A_218 = vector.shape_cast %parallel_loop3A_217 : vector<1x16xf32> to vector<16xf32>
      %parallel_loop3A_219 = arith.constant 0.0220970865 : f32
      %parallel_loop3A_220 = vector.broadcast %parallel_loop3A_219 : f32 to vector<16xf32>
      %parallel_loop3A_221 = arith.mulf %parallel_loop3A_218, %parallel_loop3A_220 : vector<16xf32>
      %parallel_loop3A_222 = arith.index_cast %parallel_loop3A_210 : i32 to index
      %parallel_loop3A_223 = arith.index_cast %parallel_loop3A_214 : i32 to index
      %parallel_loop3A_224 = tpu.vector_load %arg6[%parallel_loop3A_222, %parallel_loop3A_223] {strides = array<i32>} : memref<16x2048xf32, #tpu.memory_space<vmem>>, vector<1x16xf32>,
      %parallel_loop3A_225 = vector.shape_cast %parallel_loop3A_224 : vector<1x16xf32> to vector<16xf32>
      %parallel_loop3A_226 = vector.shape_cast %parallel_loop3A_221 : vector<16xf32> to vector<1x16xf32>
      tpu.vector_store %arg6[%parallel_loop3A_222, %parallel_loop3A_223], %parallel_loop3A_226 {strides = array<i32>} : memref<16x2048xf32, #tpu.memory_space<vmem>>, vector<1x16xf32>,
    } {sc.loop_unroll_factor = 8 : i64, sc.parallel_access}
    %add3A_45 = arith.constant 64 : i32
    %add3A_46 = arith.addi %multiple_of3A, %add3A_45 : i32
    %dma_start3A_47 = arith.constant 0 : i32
    %dma_start3A_48 = tpu.memref_slice %arg2[%add3A_46, %dma_start3A_47] : memref<8192x2048xf32, #tpu.memory_space<hbm>> -> memref<16x2048xf32, #tpu.memory_space<hbm>>
    %dma_start3A_49 = arith.constant 0 : i32
    %dma_start3A_50 = tpu.memref_slice %arg2[%add3A_46, %dma_start3A_49] : memref<8192x2048xf32, #tpu.memory_space<hbm>> -> memref<16x2048xf32, #tpu.memory_space<hbm>>
    tpu.enqueue_dma source(%dma_start3A_50 : memref<16x2048xf32, #tpu.memory_space<hbm>>) target(%arg5 : memref<16x2048xf32, #tpu.memory_space<vmem>>) target_semaphore(%arg8 : memref<!tpu.dma_semaphore, #tpu.memory_space<semaphore_mem>>)
    %dma_wait3A_51 = arith.constant 0 : i32
    %dma_wait3A_52 = tpu.memref_slice %arg2[%add3A_33, %dma_wait3A_51] : memref<8192x2048xf32, #tpu.memory_space<hbm>> -> memref<16x2048xf32, #tpu.memory_space<hbm>>
    %dma_wait3A_53 = arith.constant 0 : i32
    %dma_wait3A_54 = tpu.memref_slice %arg2[%add3A_33, %dma_wait3A_53] : memref<8192x2048xf32, #tpu.memory_space<hbm>> -> memref<16x2048xf32, #tpu.memory_space<hbm>>
    tpu.wait_dma2 semaphore(%arg7 : memref<!tpu.dma_semaphore, #tpu.memory_space<semaphore_mem>>) src(%dma_wait3A_54 : memref<16x2048xf32, #tpu.memory_space<hbm>>) dst(%arg4 : memref<16x2048xf32, #tpu.memory_space<vmem>>)
    %parallel_loop3A_55 = arith.constant 0 : i32
    %parallel_loop3A_56 = arith.constant 2048 : i32
    %parallel_loop3A_57 = arith.constant 1 : i32
    scf.for %parallel_loop3A_208 = %parallel_loop3A_55 to %parallel_loop3A_56 step %parallel_loop3A_57  : i32 {
      %parallel_loop3A_209 = arith.constant 7 : i32
      %parallel_loop3A_210 = arith.shrsi %parallel_loop3A_208, %parallel_loop3A_209 : i32
      %parallel_loop3A_211 = arith.constant 127 : i32
      %parallel_loop3A_212 = arith.andi %parallel_loop3A_208, %parallel_loop3A_211 : i32
      %parallel_loop3A_213 = arith.constant 16 : i32
      %parallel_loop3A_214 = arith.muli %parallel_loop3A_212, %parallel_loop3A_213 : i32
      %parallel_loop3A_215 = arith.index_cast %parallel_loop3A_210 : i32 to index
      %parallel_loop3A_216 = arith.index_cast %parallel_loop3A_214 : i32 to index
      %parallel_loop3A_217 = tpu.vector_load %arg4[%parallel_loop3A_215, %parallel_loop3A_216] {strides = array<i32>} : memref<16x2048xf32, #tpu.memory_space<vmem>>, vector<1x16xf32>,
      %parallel_loop3A_218 = vector.shape_cast %parallel_loop3A_217 : vector<1x16xf32> to vector<16xf32>
      %parallel_loop3A_219 = arith.constant 0.0220970865 : f32
      %parallel_loop3A_220 = vector.broadcast %parallel_loop3A_219 : f32 to vector<16xf32>
      %parallel_loop3A_221 = arith.mulf %parallel_loop3A_218, %parallel_loop3A_220 : vector<16xf32>
      %parallel_loop3A_222 = arith.index_cast %parallel_loop3A_210 : i32 to index
      %parallel_loop3A_223 = arith.index_cast %parallel_loop3A_214 : i32 to index
      %parallel_loop3A_224 = tpu.vector_load %arg4[%parallel_loop3A_222, %parallel_loop3A_223] {strides = array<i32>} : memref<16x2048xf32, #tpu.memory_space<vmem>>, vector<1x16xf32>,
      %parallel_loop3A_225 = vector.shape_cast %parallel_loop3A_224 : vector<1x16xf32> to vector<16xf32>
      %parallel_loop3A_226 = vector.shape_cast %parallel_loop3A_221 : vector<16xf32> to vector<1x16xf32>
      tpu.vector_store %arg4[%parallel_loop3A_222, %parallel_loop3A_223], %parallel_loop3A_226 {strides = array<i32>} : memref<16x2048xf32, #tpu.memory_space<vmem>>, vector<1x16xf32>,
    } {sc.loop_unroll_factor = 8 : i64, sc.parallel_access}
    %add3A_58 = arith.constant 80 : i32
    %add3A_59 = arith.addi %multiple_of3A, %add3A_58 : i32
    %dma_start3A_60 = arith.constant 0 : i32
    %dma_start3A_61 = tpu.memref_slice %arg2[%add3A_59, %dma_start3A_60] : memref<8192x2048xf32, #tpu.memory_space<hbm>> -> memref<16x2048xf32, #tpu.memory_space<hbm>>
    %dma_start3A_62 = arith.constant 0 : i32
    %dma_start3A_63 = tpu.memref_slice %arg2[%add3A_59, %dma_start3A_62] : memref<8192x2048xf32, #tpu.memory_space<hbm>> -> memref<16x2048xf32, #tpu.memory_space<hbm>>
    tpu.enqueue_dma source(%dma_start3A_63 : memref<16x2048xf32, #tpu.memory_space<hbm>>) target(%arg6 : memref<16x2048xf32, #tpu.memory_space<vmem>>) target_semaphore(%arg9 : memref<!tpu.dma_semaphore, #tpu.memory_space<semaphore_mem>>)
    %dma_wait3A_64 = arith.constant 0 : i32
    %dma_wait3A_65 = tpu.memref_slice %arg2[%add3A_46, %dma_wait3A_64] : memref<8192x2048xf32, #tpu.memory_space<hbm>> -> memref<16x2048xf32, #tpu.memory_space<hbm>>
    %dma_wait3A_66 = arith.constant 0 : i32
    %dma_wait3A_67 = tpu.memref_slice %arg2[%add3A_46, %dma_wait3A_66] : memref<8192x2048xf32, #tpu.memory_space<hbm>> -> memref<16x2048xf32, #tpu.memory_space<hbm>>
    tpu.wait_dma2 semaphore(%arg8 : memref<!tpu.dma_semaphore, #tpu.memory_space<semaphore_mem>>) src(%dma_wait3A_67 : memref<16x2048xf32, #tpu.memory_space<hbm>>) dst(%arg5 : memref<16x2048xf32, #tpu.memory_space<vmem>>)
    %parallel_loop3A_68 = arith.constant 0 : i32
    %parallel_loop3A_69 = arith.constant 2048 : i32
    %parallel_loop3A_70 = arith.constant 1 : i32
    scf.for %parallel_loop3A_208 = %parallel_loop3A_68 to %parallel_loop3A_69 step %parallel_loop3A_70  : i32 {
      %parallel_loop3A_209 = arith.constant 7 : i32
      %parallel_loop3A_210 = arith.shrsi %parallel_loop3A_208, %parallel_loop3A_209 : i32
      %parallel_loop3A_211 = arith.constant 127 : i32
      %parallel_loop3A_212 = arith.andi %parallel_loop3A_208, %parallel_loop3A_211 : i32
      %parallel_loop3A_213 = arith.constant 16 : i32
      %parallel_loop3A_214 = arith.muli %parallel_loop3A_212, %parallel_loop3A_213 : i32
      %parallel_loop3A_215 = arith.index_cast %parallel_loop3A_210 : i32 to index
      %parallel_loop3A_216 = arith.index_cast %parallel_loop3A_214 : i32 to index
      %parallel_loop3A_217 = tpu.vector_load %arg5[%parallel_loop3A_215, %parallel_loop3A_216] {strides = array<i32>} : memref<16x2048xf32, #tpu.memory_space<vmem>>, vector<1x16xf32>,
      %parallel_loop3A_218 = vector.shape_cast %parallel_loop3A_217 : vector<1x16xf32> to vector<16xf32>
      %parallel_loop3A_219 = arith.constant 0.0220970865 : f32
      %parallel_loop3A_220 = vector.broadcast %parallel_loop3A_219 : f32 to vector<16xf32>
      %parallel_loop3A_221 = arith.mulf %parallel_loop3A_218, %parallel_loop3A_220 : vector<16xf32>
      %parallel_loop3A_222 = arith.index_cast %parallel_loop3A_210 : i32 to index
      %parallel_loop3A_223 = arith.index_cast %parallel_loop3A_214 : i32 to index
      %parallel_loop3A_224 = tpu.vector_load %arg5[%parallel_loop3A_222, %parallel_loop3A_223] {strides = array<i32>} : memref<16x2048xf32, #tpu.memory_space<vmem>>, vector<1x16xf32>,
      %parallel_loop3A_225 = vector.shape_cast %parallel_loop3A_224 : vector<1x16xf32> to vector<16xf32>
      %parallel_loop3A_226 = vector.shape_cast %parallel_loop3A_221 : vector<16xf32> to vector<1x16xf32>
      tpu.vector_store %arg5[%parallel_loop3A_222, %parallel_loop3A_223], %parallel_loop3A_226 {strides = array<i32>} : memref<16x2048xf32, #tpu.memory_space<vmem>>, vector<1x16xf32>,
    } {sc.loop_unroll_factor = 8 : i64, sc.parallel_access}
    %add3A_71 = arith.constant 96 : i32
    %add3A_72 = arith.addi %multiple_of3A, %add3A_71 : i32
    %dma_start3A_73 = arith.constant 0 : i32
    %dma_start3A_74 = tpu.memref_slice %arg2[%add3A_72, %dma_start3A_73] : memref<8192x2048xf32, #tpu.memory_space<hbm>> -> memref<16x2048xf32, #tpu.memory_space<hbm>>
    %dma_start3A_75 = arith.constant 0 : i32
    %dma_start3A_76 = tpu.memref_slice %arg2[%add3A_72, %dma_start3A_75] : memref<8192x2048xf32, #tpu.memory_space<hbm>> -> memref<16x2048xf32, #tpu.memory_space<hbm>>
    tpu.enqueue_dma source(%dma_start3A_76 : memref<16x2048xf32, #tpu.memory_space<hbm>>) target(%arg4 : memref<16x2048xf32, #tpu.memory_space<vmem>>) target_semaphore(%arg7 : memref<!tpu.dma_semaphore, #tpu.memory_space<semaphore_mem>>)
    %dma_wait3A_77 = arith.constant 0 : i32
    %dma_wait3A_78 = tpu.memref_slice %arg2[%add3A_59, %dma_wait3A_77] : memref<8192x2048xf32, #tpu.memory_space<hbm>> -> memref<16x2048xf32, #tpu.memory_space<hbm>>
    %dma_wait3A_79 = arith.constant 0 : i32
    %dma_wait3A_80 = tpu.memref_slice %arg2[%add3A_59, %dma_wait3A_79] : memref<8192x2048xf32, #tpu.memory_space<hbm>> -> memref<16x2048xf32, #tpu.memory_space<hbm>>
    tpu.wait_dma2 semaphore(%arg9 : memref<!tpu.dma_semaphore, #tpu.memory_space<semaphore_mem>>) src(%dma_wait3A_80 : memref<16x2048xf32, #tpu.memory_space<hbm>>) dst(%arg6 : memref<16x2048xf32, #tpu.memory_space<vmem>>)
    %parallel_loop3A_81 = arith.constant 0 : i32
    %parallel_loop3A_82 = arith.constant 2048 : i32
    %parallel_loop3A_83 = arith.constant 1 : i32
    scf.for %parallel_loop3A_208 = %parallel_loop3A_81 to %parallel_loop3A_82 step %parallel_loop3A_83  : i32 {
      %parallel_loop3A_209 = arith.constant 7 : i32
      %parallel_loop3A_210 = arith.shrsi %parallel_loop3A_208, %parallel_loop3A_209 : i32
      %parallel_loop3A_211 = arith.constant 127 : i32
      %parallel_loop3A_212 = arith.andi %parallel_loop3A_208, %parallel_loop3A_211 : i32
      %parallel_loop3A_213 = arith.constant 16 : i32
      %parallel_loop3A_214 = arith.muli %parallel_loop3A_212, %parallel_loop3A_213 : i32
      %parallel_loop3A_215 = arith.index_cast %parallel_loop3A_210 : i32 to index
      %parallel_loop3A_216 = arith.index_cast %parallel_loop3A_214 : i32 to index
      %parallel_loop3A_217 = tpu.vector_load %arg6[%parallel_loop3A_215, %parallel_loop3A_216] {strides = array<i32>} : memref<16x2048xf32, #tpu.memory_space<vmem>>, vector<1x16xf32>,
      %parallel_loop3A_218 = vector.shape_cast %parallel_loop3A_217 : vector<1x16xf32> to vector<16xf32>
      %parallel_loop3A_219 = arith.constant 0.0220970865 : f32
      %parallel_loop3A_220 = vector.broadcast %parallel_loop3A_219 : f32 to vector<16xf32>
      %parallel_loop3A_221 = arith.mulf %parallel_loop3A_218, %parallel_loop3A_220 : vector<16xf32>
      %parallel_loop3A_222 = arith.index_cast %parallel_loop3A_210 : i32 to index
      %parallel_loop3A_223 = arith.index_cast %parallel_loop3A_214 : i32 to index
      %parallel_loop3A_224 = tpu.vector_load %arg6[%parallel_loop3A_222, %parallel_loop3A_223] {strides = array<i32>} : memref<16x2048xf32, #tpu.memory_space<vmem>>, vector<1x16xf32>,
      %parallel_loop3A_225 = vector.shape_cast %parallel_loop3A_224 : vector<1x16xf32> to vector<16xf32>
      %parallel_loop3A_226 = vector.shape_cast %parallel_loop3A_221 : vector<16xf32> to vector<1x16xf32>
      tpu.vector_store %arg6[%parallel_loop3A_222, %parallel_loop3A_223], %parallel_loop3A_226 {strides = array<i32>} : memref<16x2048xf32, #tpu.memory_space<vmem>>, vector<1x16xf32>,
    } {sc.loop_unroll_factor = 8 : i64, sc.parallel_access}
    %add3A_84 = arith.constant 112 : i32
    %add3A_85 = arith.addi %multiple_of3A, %add3A_84 : i32
    %dma_start3A_86 = arith.constant 0 : i32
    %dma_start3A_87 = tpu.memref_slice %arg2[%add3A_85, %dma_start3A_86] : memref<8192x2048xf32, #tpu.memory_space<hbm>> -> memref<16x2048xf32, #tpu.memory_space<hbm>>
    %dma_start3A_88 = arith.constant 0 : i32
    %dma_start3A_89 = tpu.memref_slice %arg2[%add3A_85, %dma_start3A_88] : memref<8192x2048xf32, #tpu.memory_space<hbm>> -> memref<16x2048xf32, #tpu.memory_space<hbm>>
    tpu.enqueue_dma source(%dma_start3A_89 : memref<16x2048xf32, #tpu.memory_space<hbm>>) target(%arg5 : memref<16x2048xf32, #tpu.memory_space<vmem>>) target_semaphore(%arg8 : memref<!tpu.dma_semaphore, #tpu.memory_space<semaphore_mem>>)
    %dma_wait3A_90 = arith.constant 0 : i32
    %dma_wait3A_91 = tpu.memref_slice %arg2[%add3A_72, %dma_wait3A_90] : memref<8192x2048xf32, #tpu.memory_space<hbm>> -> memref<16x2048xf32, #tpu.memory_space<hbm>>
    %dma_wait3A_92 = arith.constant 0 : i32
    %dma_wait3A_93 = tpu.memref_slice %arg2[%add3A_72, %dma_wait3A_92] : memref<8192x2048xf32, #tpu.memory_space<hbm>> -> memref<16x2048xf32, #tpu.memory_space<hbm>>
    tpu.wait_dma2 semaphore(%arg7 : memref<!tpu.dma_semaphore, #tpu.memory_space<semaphore_mem>>) src(%dma_wait3A_93 : memref<16x2048xf32, #tpu.memory_space<hbm>>) dst(%arg4 : memref<16x2048xf32, #tpu.memory_space<vmem>>)
    %parallel_loop3A_94 = arith.constant 0 : i32
    %parallel_loop3A_95 = arith.constant 2048 : i32
    %parallel_loop3A_96 = arith.constant 1 : i32
    scf.for %parallel_loop3A_208 = %parallel_loop3A_94 to %parallel_loop3A_95 step %parallel_loop3A_96  : i32 {
      %parallel_loop3A_209 = arith.constant 7 : i32
      %parallel_loop3A_210 = arith.shrsi %parallel_loop3A_208, %parallel_loop3A_209 : i32
      %parallel_loop3A_211 = arith.constant 127 : i32
      %parallel_loop3A_212 = arith.andi %parallel_loop3A_208, %parallel_loop3A_211 : i32
      %parallel_loop3A_213 = arith.constant 16 : i32
      %parallel_loop3A_214 = arith.muli %parallel_loop3A_212, %parallel_loop3A_213 : i32
      %parallel_loop3A_215 = arith.index_cast %parallel_loop3A_210 : i32 to index
      %parallel_loop3A_216 = arith.index_cast %parallel_loop3A_214 : i32 to index
      %parallel_loop3A_217 = tpu.vector_load %arg4[%parallel_loop3A_215, %parallel_loop3A_216] {strides = array<i32>} : memref<16x2048xf32, #tpu.memory_space<vmem>>, vector<1x16xf32>,
      %parallel_loop3A_218 = vector.shape_cast %parallel_loop3A_217 : vector<1x16xf32> to vector<16xf32>
      %parallel_loop3A_219 = arith.constant 0.0220970865 : f32
      %parallel_loop3A_220 = vector.broadcast %parallel_loop3A_219 : f32 to vector<16xf32>
      %parallel_loop3A_221 = arith.mulf %parallel_loop3A_218, %parallel_loop3A_220 : vector<16xf32>
      %parallel_loop3A_222 = arith.index_cast %parallel_loop3A_210 : i32 to index
      %parallel_loop3A_223 = arith.index_cast %parallel_loop3A_214 : i32 to index
      %parallel_loop3A_224 = tpu.vector_load %arg4[%parallel_loop3A_222, %parallel_loop3A_223] {strides = array<i32>} : memref<16x2048xf32, #tpu.memory_space<vmem>>, vector<1x16xf32>,
      %parallel_loop3A_225 = vector.shape_cast %parallel_loop3A_224 : vector<1x16xf32> to vector<16xf32>
      %parallel_loop3A_226 = vector.shape_cast %parallel_loop3A_221 : vector<16xf32> to vector<1x16xf32>
      tpu.vector_store %arg4[%parallel_loop3A_222, %parallel_loop3A_223], %parallel_loop3A_226 {strides = array<i32>} : memref<16x2048xf32, #tpu.memory_space<vmem>>, vector<1x16xf32>,
    } {sc.loop_unroll_factor = 8 : i64, sc.parallel_access}
    %add3A_97 = arith.constant 128 : i32
    %add3A_98 = arith.addi %multiple_of3A, %add3A_97 : i32
    %dma_start3A_99 = arith.constant 0 : i32
    %dma_start3A_100 = tpu.memref_slice %arg2[%add3A_98, %dma_start3A_99] : memref<8192x2048xf32, #tpu.memory_space<hbm>> -> memref<16x2048xf32, #tpu.memory_space<hbm>>
    %dma_start3A_101 = arith.constant 0 : i32
    %dma_start3A_102 = tpu.memref_slice %arg2[%add3A_98, %dma_start3A_101] : memref<8192x2048xf32, #tpu.memory_space<hbm>> -> memref<16x2048xf32, #tpu.memory_space<hbm>>
    tpu.enqueue_dma source(%dma_start3A_102 : memref<16x2048xf32, #tpu.memory_space<hbm>>) target(%arg6 : memref<16x2048xf32, #tpu.memory_space<vmem>>) target_semaphore(%arg9 : memref<!tpu.dma_semaphore, #tpu.memory_space<semaphore_mem>>)
    %dma_wait3A_103 = arith.constant 0 : i32
    %dma_wait3A_104 = tpu.memref_slice %arg2[%add3A_85, %dma_wait3A_103] : memref<8192x2048xf32, #tpu.memory_space<hbm>> -> memref<16x2048xf32, #tpu.memory_space<hbm>>
    %dma_wait3A_105 = arith.constant 0 : i32
    %dma_wait3A_106 = tpu.memref_slice %arg2[%add3A_85, %dma_wait3A_105] : memref<8192x2048xf32, #tpu.memory_space<hbm>> -> memref<16x2048xf32, #tpu.memory_space<hbm>>
    tpu.wait_dma2 semaphore(%arg8 : memref<!tpu.dma_semaphore, #tpu.memory_space<semaphore_mem>>) src(%dma_wait3A_106 : memref<16x2048xf32, #tpu.memory_space<hbm>>) dst(%arg5 : memref<16x2048xf32, #tpu.memory_space<vmem>>)
    %parallel_loop3A_107 = arith.constant 0 : i32
    %parallel_loop3A_108 = arith.constant 2048 : i32
    %parallel_loop3A_109 = arith.constant 1 : i32
    scf.for %parallel_loop3A_208 = %parallel_loop3A_107 to %parallel_loop3A_108 step %parallel_loop3A_109  : i32 {
      %parallel_loop3A_209 = arith.constant 7 : i32
      %parallel_loop3A_210 = arith.shrsi %parallel_loop3A_208, %parallel_loop3A_209 : i32
      %parallel_loop3A_211 = arith.constant 127 : i32
      %parallel_loop3A_212 = arith.andi %parallel_loop3A_208, %parallel_loop3A_211 : i32
      %parallel_loop3A_213 = arith.constant 16 : i32
      %parallel_loop3A_214 = arith.muli %parallel_loop3A_212, %parallel_loop3A_213 : i32
      %parallel_loop3A_215 = arith.index_cast %parallel_loop3A_210 : i32 to index
      %parallel_loop3A_216 = arith.index_cast %parallel_loop3A_214 : i32 to index
      %parallel_loop3A_217 = tpu.vector_load %arg5[%parallel_loop3A_215, %parallel_loop3A_216] {strides = array<i32>} : memref<16x2048xf32, #tpu.memory_space<vmem>>, vector<1x16xf32>,
      %parallel_loop3A_218 = vector.shape_cast %parallel_loop3A_217 : vector<1x16xf32> to vector<16xf32>
      %parallel_loop3A_219 = arith.constant 0.0220970865 : f32
      %parallel_loop3A_220 = vector.broadcast %parallel_loop3A_219 : f32 to vector<16xf32>
      %parallel_loop3A_221 = arith.mulf %parallel_loop3A_218, %parallel_loop3A_220 : vector<16xf32>
      %parallel_loop3A_222 = arith.index_cast %parallel_loop3A_210 : i32 to index
      %parallel_loop3A_223 = arith.index_cast %parallel_loop3A_214 : i32 to index
      %parallel_loop3A_224 = tpu.vector_load %arg5[%parallel_loop3A_222, %parallel_loop3A_223] {strides = array<i32>} : memref<16x2048xf32, #tpu.memory_space<vmem>>, vector<1x16xf32>,
      %parallel_loop3A_225 = vector.shape_cast %parallel_loop3A_224 : vector<1x16xf32> to vector<16xf32>
      %parallel_loop3A_226 = vector.shape_cast %parallel_loop3A_221 : vector<16xf32> to vector<1x16xf32>
      tpu.vector_store %arg5[%parallel_loop3A_222, %parallel_loop3A_223], %parallel_loop3A_226 {strides = array<i32>} : memref<16x2048xf32, #tpu.memory_space<vmem>>, vector<1x16xf32>,
    } {sc.loop_unroll_factor = 8 : i64, sc.parallel_access}
    %add3A_110 = arith.constant 144 : i32
    %add3A_111 = arith.addi %multiple_of3A, %add3A_110 : i32
    %dma_start3A_112 = arith.constant 0 : i32
    %dma_start3A_113 = tpu.memref_slice %arg2[%add3A_111, %dma_start3A_112] : memref<8192x2048xf32, #tpu.memory_space<hbm>> -> memref<16x2048xf32, #tpu.memory_space<hbm>>
    %dma_start3A_114 = arith.constant 0 : i32
    %dma_start3A_115 = tpu.memref_slice %arg2[%add3A_111, %dma_start3A_114] : memref<8192x2048xf32, #tpu.memory_space<hbm>> -> memref<16x2048xf32, #tpu.memory_space<hbm>>
    tpu.enqueue_dma source(%dma_start3A_115 : memref<16x2048xf32, #tpu.memory_space<hbm>>) target(%arg4 : memref<16x2048xf32, #tpu.memory_space<vmem>>) target_semaphore(%arg7 : memref<!tpu.dma_semaphore, #tpu.memory_space<semaphore_mem>>)
    %dma_wait3A_116 = arith.constant 0 : i32
    %dma_wait3A_117 = tpu.memref_slice %arg2[%add3A_98, %dma_wait3A_116] : memref<8192x2048xf32, #tpu.memory_space<hbm>> -> memref<16x2048xf32, #tpu.memory_space<hbm>>
    %dma_wait3A_118 = arith.constant 0 : i32
    %dma_wait3A_119 = tpu.memref_slice %arg2[%add3A_98, %dma_wait3A_118] : memref<8192x2048xf32, #tpu.memory_space<hbm>> -> memref<16x2048xf32, #tpu.memory_space<hbm>>
    tpu.wait_dma2 semaphore(%arg9 : memref<!tpu.dma_semaphore, #tpu.memory_space<semaphore_mem>>) src(%dma_wait3A_119 : memref<16x2048xf32, #tpu.memory_space<hbm>>) dst(%arg6 : memref<16x2048xf32, #tpu.memory_space<vmem>>)
    %parallel_loop3A_120 = arith.constant 0 : i32
    %parallel_loop3A_121 = arith.constant 2048 : i32
    %parallel_loop3A_122 = arith.constant 1 : i32
    scf.for %parallel_loop3A_208 = %parallel_loop3A_120 to %parallel_loop3A_121 step %parallel_loop3A_122  : i32 {
      %parallel_loop3A_209 = arith.constant 7 : i32
      %parallel_loop3A_210 = arith.shrsi %parallel_loop3A_208, %parallel_loop3A_209 : i32
      %parallel_loop3A_211 = arith.constant 127 : i32
      %parallel_loop3A_212 = arith.andi %parallel_loop3A_208, %parallel_loop3A_211 : i32
      %parallel_loop3A_213 = arith.constant 16 : i32
      %parallel_loop3A_214 = arith.muli %parallel_loop3A_212, %parallel_loop3A_213 : i32
      %parallel_loop3A_215 = arith.index_cast %parallel_loop3A_210 : i32 to index
      %parallel_loop3A_216 = arith.index_cast %parallel_loop3A_214 : i32 to index
      %parallel_loop3A_217 = tpu.vector_load %arg6[%parallel_loop3A_215, %parallel_loop3A_216] {strides = array<i32>} : memref<16x2048xf32, #tpu.memory_space<vmem>>, vector<1x16xf32>,
      %parallel_loop3A_218 = vector.shape_cast %parallel_loop3A_217 : vector<1x16xf32> to vector<16xf32>
      %parallel_loop3A_219 = arith.constant 0.0220970865 : f32
      %parallel_loop3A_220 = vector.broadcast %parallel_loop3A_219 : f32 to vector<16xf32>
      %parallel_loop3A_221 = arith.mulf %parallel_loop3A_218, %parallel_loop3A_220 : vector<16xf32>
      %parallel_loop3A_222 = arith.index_cast %parallel_loop3A_210 : i32 to index
      %parallel_loop3A_223 = arith.index_cast %parallel_loop3A_214 : i32 to index
      %parallel_loop3A_224 = tpu.vector_load %arg6[%parallel_loop3A_222, %parallel_loop3A_223] {strides = array<i32>} : memref<16x2048xf32, #tpu.memory_space<vmem>>, vector<1x16xf32>,
      %parallel_loop3A_225 = vector.shape_cast %parallel_loop3A_224 : vector<1x16xf32> to vector<16xf32>
      %parallel_loop3A_226 = vector.shape_cast %parallel_loop3A_221 : vector<16xf32> to vector<1x16xf32>
      tpu.vector_store %arg6[%parallel_loop3A_222, %parallel_loop3A_223], %parallel_loop3A_226 {strides = array<i32>} : memref<16x2048xf32, #tpu.memory_space<vmem>>, vector<1x16xf32>,
    } {sc.loop_unroll_factor = 8 : i64, sc.parallel_access}
    %add3A_123 = arith.constant 160 : i32
    %add3A_124 = arith.addi %multiple_of3A, %add3A_123 : i32
    %dma_start3A_125 = arith.constant 0 : i32
    %dma_start3A_126 = tpu.memref_slice %arg2[%add3A_124, %dma_start3A_125] : memref<8192x2048xf32, #tpu.memory_space<hbm>> -> memref<16x2048xf32, #tpu.memory_space<hbm>>
    %dma_start3A_127 = arith.constant 0 : i32
    %dma_start3A_128 = tpu.memref_slice %arg2[%add3A_124, %dma_start3A_127] : memref<8192x2048xf32, #tpu.memory_space<hbm>> -> memref<16x2048xf32, #tpu.memory_space<hbm>>
    tpu.enqueue_dma source(%dma_start3A_128 : memref<16x2048xf32, #tpu.memory_space<hbm>>) target(%arg5 : memref<16x2048xf32, #tpu.memory_space<vmem>>) target_semaphore(%arg8 : memref<!tpu.dma_semaphore, #tpu.memory_space<semaphore_mem>>)
    %dma_wait3A_129 = arith.constant 0 : i32
    %dma_wait3A_130 = tpu.memref_slice %arg2[%add3A_111, %dma_wait3A_129] : memref<8192x2048xf32, #tpu.memory_space<hbm>> -> memref<16x2048xf32, #tpu.memory_space<hbm>>
    %dma_wait3A_131 = arith.constant 0 : i32
    %dma_wait3A_132 = tpu.memref_slice %arg2[%add3A_111, %dma_wait3A_131] : memref<8192x2048xf32, #tpu.memory_space<hbm>> -> memref<16x2048xf32, #tpu.memory_space<hbm>>
    tpu.wait_dma2 semaphore(%arg7 : memref<!tpu.dma_semaphore, #tpu.memory_space<semaphore_mem>>) src(%dma_wait3A_132 : memref<16x2048xf32, #tpu.memory_space<hbm>>) dst(%arg4 : memref<16x2048xf32, #tpu.memory_space<vmem>>)
    %parallel_loop3A_133 = arith.constant 0 : i32
    %parallel_loop3A_134 = arith.constant 2048 : i32
    %parallel_loop3A_135 = arith.constant 1 : i32
    scf.for %parallel_loop3A_208 = %parallel_loop3A_133 to %parallel_loop3A_134 step %parallel_loop3A_135  : i32 {
      %parallel_loop3A_209 = arith.constant 7 : i32
      %parallel_loop3A_210 = arith.shrsi %parallel_loop3A_208, %parallel_loop3A_209 : i32
      %parallel_loop3A_211 = arith.constant 127 : i32
      %parallel_loop3A_212 = arith.andi %parallel_loop3A_208, %parallel_loop3A_211 : i32
      %parallel_loop3A_213 = arith.constant 16 : i32
      %parallel_loop3A_214 = arith.muli %parallel_loop3A_212, %parallel_loop3A_213 : i32
      %parallel_loop3A_215 = arith.index_cast %parallel_loop3A_210 : i32 to index
      %parallel_loop3A_216 = arith.index_cast %parallel_loop3A_214 : i32 to index
      %parallel_loop3A_217 = tpu.vector_load %arg4[%parallel_loop3A_215, %parallel_loop3A_216] {strides = array<i32>} : memref<16x2048xf32, #tpu.memory_space<vmem>>, vector<1x16xf32>,
      %parallel_loop3A_218 = vector.shape_cast %parallel_loop3A_217 : vector<1x16xf32> to vector<16xf32>
      %parallel_loop3A_219 = arith.constant 0.0220970865 : f32
      %parallel_loop3A_220 = vector.broadcast %parallel_loop3A_219 : f32 to vector<16xf32>
      %parallel_loop3A_221 = arith.mulf %parallel_loop3A_218, %parallel_loop3A_220 : vector<16xf32>
      %parallel_loop3A_222 = arith.index_cast %parallel_loop3A_210 : i32 to index
      %parallel_loop3A_223 = arith.index_cast %parallel_loop3A_214 : i32 to index
      %parallel_loop3A_224 = tpu.vector_load %arg4[%parallel_loop3A_222, %parallel_loop3A_223] {strides = array<i32>} : memref<16x2048xf32, #tpu.memory_space<vmem>>, vector<1x16xf32>,
      %parallel_loop3A_225 = vector.shape_cast %parallel_loop3A_224 : vector<1x16xf32> to vector<16xf32>
      %parallel_loop3A_226 = vector.shape_cast %parallel_loop3A_221 : vector<16xf32> to vector<1x16xf32>
      tpu.vector_store %arg4[%parallel_loop3A_222, %parallel_loop3A_223], %parallel_loop3A_226 {strides = array<i32>} : memref<16x2048xf32, #tpu.memory_space<vmem>>, vector<1x16xf32>,
    } {sc.loop_unroll_factor = 8 : i64, sc.parallel_access}
    %add3A_136 = arith.constant 176 : i32
    %add3A_137 = arith.addi %multiple_of3A, %add3A_136 : i32
    %dma_start3A_138 = arith.constant 0 : i32
    %dma_start3A_139 = tpu.memref_slice %arg2[%add3A_137, %dma_start3A_138] : memref<8192x2048xf32, #tpu.memory_space<hbm>> -> memref<16x2048xf32, #tpu.memory_space<hbm>>
    %dma_start3A_140 = arith.constant 0 : i32
    %dma_start3A_141 = tpu.memref_slice %arg2[%add3A_137, %dma_start3A_140] : memref<8192x2048xf32, #tpu.memory_space<hbm>> -> memref<16x2048xf32, #tpu.memory_space<hbm>>
    tpu.enqueue_dma source(%dma_start3A_141 : memref<16x2048xf32, #tpu.memory_space<hbm>>) target(%arg6 : memref<16x2048xf32, #tpu.memory_space<vmem>>) target_semaphore(%arg9 : memref<!tpu.dma_semaphore, #tpu.memory_space<semaphore_mem>>)
    %dma_wait3A_142 = arith.constant 0 : i32
    %dma_wait3A_143 = tpu.memref_slice %arg2[%add3A_124, %dma_wait3A_142] : memref<8192x2048xf32, #tpu.memory_space<hbm>> -> memref<16x2048xf32, #tpu.memory_space<hbm>>
    %dma_wait3A_144 = arith.constant 0 : i32
    %dma_wait3A_145 = tpu.memref_slice %arg2[%add3A_124, %dma_wait3A_144] : memref<8192x2048xf32, #tpu.memory_space<hbm>> -> memref<16x2048xf32, #tpu.memory_space<hbm>>
    tpu.wait_dma2 semaphore(%arg8 : memref<!tpu.dma_semaphore, #tpu.memory_space<semaphore_mem>>) src(%dma_wait3A_145 : memref<16x2048xf32, #tpu.memory_space<hbm>>) dst(%arg5 : memref<16x2048xf32, #tpu.memory_space<vmem>>)
    %parallel_loop3A_146 = arith.constant 0 : i32
    %parallel_loop3A_147 = arith.constant 2048 : i32
    %parallel_loop3A_148 = arith.constant 1 : i32
    scf.for %parallel_loop3A_208 = %parallel_loop3A_146 to %parallel_loop3A_147 step %parallel_loop3A_148  : i32 {
      %parallel_loop3A_209 = arith.constant 7 : i32
      %parallel_loop3A_210 = arith.shrsi %parallel_loop3A_208, %parallel_loop3A_209 : i32
      %parallel_loop3A_211 = arith.constant 127 : i32
      %parallel_loop3A_212 = arith.andi %parallel_loop3A_208, %parallel_loop3A_211 : i32
      %parallel_loop3A_213 = arith.constant 16 : i32
      %parallel_loop3A_214 = arith.muli %parallel_loop3A_212, %parallel_loop3A_213 : i32
      %parallel_loop3A_215 = arith.index_cast %parallel_loop3A_210 : i32 to index
      %parallel_loop3A_216 = arith.index_cast %parallel_loop3A_214 : i32 to index
      %parallel_loop3A_217 = tpu.vector_load %arg5[%parallel_loop3A_215, %parallel_loop3A_216] {strides = array<i32>} : memref<16x2048xf32, #tpu.memory_space<vmem>>, vector<1x16xf32>,
      %parallel_loop3A_218 = vector.shape_cast %parallel_loop3A_217 : vector<1x16xf32> to vector<16xf32>
      %parallel_loop3A_219 = arith.constant 0.0220970865 : f32
      %parallel_loop3A_220 = vector.broadcast %parallel_loop3A_219 : f32 to vector<16xf32>
      %parallel_loop3A_221 = arith.mulf %parallel_loop3A_218, %parallel_loop3A_220 : vector<16xf32>
      %parallel_loop3A_222 = arith.index_cast %parallel_loop3A_210 : i32 to index
      %parallel_loop3A_223 = arith.index_cast %parallel_loop3A_214 : i32 to index
      %parallel_loop3A_224 = tpu.vector_load %arg5[%parallel_loop3A_222, %parallel_loop3A_223] {strides = array<i32>} : memref<16x2048xf32, #tpu.memory_space<vmem>>, vector<1x16xf32>,
      %parallel_loop3A_225 = vector.shape_cast %parallel_loop3A_224 : vector<1x16xf32> to vector<16xf32>
      %parallel_loop3A_226 = vector.shape_cast %parallel_loop3A_221 : vector<16xf32> to vector<1x16xf32>
      tpu.vector_store %arg5[%parallel_loop3A_222, %parallel_loop3A_223], %parallel_loop3A_226 {strides = array<i32>} : memref<16x2048xf32, #tpu.memory_space<vmem>>, vector<1x16xf32>,
    } {sc.loop_unroll_factor = 8 : i64, sc.parallel_access}
    %add3A_149 = arith.constant 192 : i32
    %add3A_150 = arith.addi %multiple_of3A, %add3A_149 : i32
    %dma_start3A_151 = arith.constant 0 : i32
    %dma_start3A_152 = tpu.memref_slice %arg2[%add3A_150, %dma_start3A_151] : memref<8192x2048xf32, #tpu.memory_space<hbm>> -> memref<16x2048xf32, #tpu.memory_space<hbm>>
    %dma_start3A_153 = arith.constant 0 : i32
    %dma_start3A_154 = tpu.memref_slice %arg2[%add3A_150, %dma_start3A_153] : memref<8192x2048xf32, #tpu.memory_space<hbm>> -> memref<16x2048xf32, #tpu.memory_space<hbm>>
    tpu.enqueue_dma source(%dma_start3A_154 : memref<16x2048xf32, #tpu.memory_space<hbm>>) target(%arg4 : memref<16x2048xf32, #tpu.memory_space<vmem>>) target_semaphore(%arg7 : memref<!tpu.dma_semaphore, #tpu.memory_space<semaphore_mem>>)
    %dma_wait3A_155 = arith.constant 0 : i32
    %dma_wait3A_156 = tpu.memref_slice %arg2[%add3A_137, %dma_wait3A_155] : memref<8192x2048xf32, #tpu.memory_space<hbm>> -> memref<16x2048xf32, #tpu.memory_space<hbm>>
    %dma_wait3A_157 = arith.constant 0 : i32
    %dma_wait3A_158 = tpu.memref_slice %arg2[%add3A_137, %dma_wait3A_157] : memref<8192x2048xf32, #tpu.memory_space<hbm>> -> memref<16x2048xf32, #tpu.memory_space<hbm>>
    tpu.wait_dma2 semaphore(%arg9 : memref<!tpu.dma_semaphore, #tpu.memory_space<semaphore_mem>>) src(%dma_wait3A_158 : memref<16x2048xf32, #tpu.memory_space<hbm>>) dst(%arg6 : memref<16x2048xf32, #tpu.memory_space<vmem>>)
    %parallel_loop3A_159 = arith.constant 0 : i32
    %parallel_loop3A_160 = arith.constant 2048 : i32
    %parallel_loop3A_161 = arith.constant 1 : i32
    scf.for %parallel_loop3A_208 = %parallel_loop3A_159 to %parallel_loop3A_160 step %parallel_loop3A_161  : i32 {
      %parallel_loop3A_209 = arith.constant 7 : i32
      %parallel_loop3A_210 = arith.shrsi %parallel_loop3A_208, %parallel_loop3A_209 : i32
      %parallel_loop3A_211 = arith.constant 127 : i32
      %parallel_loop3A_212 = arith.andi %parallel_loop3A_208, %parallel_loop3A_211 : i32
      %parallel_loop3A_213 = arith.constant 16 : i32
      %parallel_loop3A_214 = arith.muli %parallel_loop3A_212, %parallel_loop3A_213 : i32
      %parallel_loop3A_215 = arith.index_cast %parallel_loop3A_210 : i32 to index
      %parallel_loop3A_216 = arith.index_cast %parallel_loop3A_214 : i32 to index
      %parallel_loop3A_217 = tpu.vector_load %arg6[%parallel_loop3A_215, %parallel_loop3A_216] {strides = array<i32>} : memref<16x2048xf32, #tpu.memory_space<vmem>>, vector<1x16xf32>,
      %parallel_loop3A_218 = vector.shape_cast %parallel_loop3A_217 : vector<1x16xf32> to vector<16xf32>
      %parallel_loop3A_219 = arith.constant 0.0220970865 : f32
      %parallel_loop3A_220 = vector.broadcast %parallel_loop3A_219 : f32 to vector<16xf32>
      %parallel_loop3A_221 = arith.mulf %parallel_loop3A_218, %parallel_loop3A_220 : vector<16xf32>
      %parallel_loop3A_222 = arith.index_cast %parallel_loop3A_210 : i32 to index
      %parallel_loop3A_223 = arith.index_cast %parallel_loop3A_214 : i32 to index
      %parallel_loop3A_224 = tpu.vector_load %arg6[%parallel_loop3A_222, %parallel_loop3A_223] {strides = array<i32>} : memref<16x2048xf32, #tpu.memory_space<vmem>>, vector<1x16xf32>,
      %parallel_loop3A_225 = vector.shape_cast %parallel_loop3A_224 : vector<1x16xf32> to vector<16xf32>
      %parallel_loop3A_226 = vector.shape_cast %parallel_loop3A_221 : vector<16xf32> to vector<1x16xf32>
      tpu.vector_store %arg6[%parallel_loop3A_222, %parallel_loop3A_223], %parallel_loop3A_226 {strides = array<i32>} : memref<16x2048xf32, #tpu.memory_space<vmem>>, vector<1x16xf32>,
    } {sc.loop_unroll_factor = 8 : i64, sc.parallel_access}
    %add3A_162 = arith.constant 208 : i32
    %add3A_163 = arith.addi %multiple_of3A, %add3A_162 : i32
    %dma_start3A_164 = arith.constant 0 : i32
    %dma_start3A_165 = tpu.memref_slice %arg2[%add3A_163, %dma_start3A_164] : memref<8192x2048xf32, #tpu.memory_space<hbm>> -> memref<16x2048xf32, #tpu.memory_space<hbm>>
    %dma_start3A_166 = arith.constant 0 : i32
    %dma_start3A_167 = tpu.memref_slice %arg2[%add3A_163, %dma_start3A_166] : memref<8192x2048xf32, #tpu.memory_space<hbm>> -> memref<16x2048xf32, #tpu.memory_space<hbm>>
    tpu.enqueue_dma source(%dma_start3A_167 : memref<16x2048xf32, #tpu.memory_space<hbm>>) target(%arg5 : memref<16x2048xf32, #tpu.memory_space<vmem>>) target_semaphore(%arg8 : memref<!tpu.dma_semaphore, #tpu.memory_space<semaphore_mem>>)
    %dma_wait3A_168 = arith.constant 0 : i32
    %dma_wait3A_169 = tpu.memref_slice %arg2[%add3A_150, %dma_wait3A_168] : memref<8192x2048xf32, #tpu.memory_space<hbm>> -> memref<16x2048xf32, #tpu.memory_space<hbm>>
    %dma_wait3A_170 = arith.constant 0 : i32
    %dma_wait3A_171 = tpu.memref_slice %arg2[%add3A_150, %dma_wait3A_170] : memref<8192x2048xf32, #tpu.memory_space<hbm>> -> memref<16x2048xf32, #tpu.memory_space<hbm>>
    tpu.wait_dma2 semaphore(%arg7 : memref<!tpu.dma_semaphore, #tpu.memory_space<semaphore_mem>>) src(%dma_wait3A_171 : memref<16x2048xf32, #tpu.memory_space<hbm>>) dst(%arg4 : memref<16x2048xf32, #tpu.memory_space<vmem>>)
    %parallel_loop3A_172 = arith.constant 0 : i32
    %parallel_loop3A_173 = arith.constant 2048 : i32
    %parallel_loop3A_174 = arith.constant 1 : i32
    scf.for %parallel_loop3A_208 = %parallel_loop3A_172 to %parallel_loop3A_173 step %parallel_loop3A_174  : i32 {
      %parallel_loop3A_209 = arith.constant 7 : i32
      %parallel_loop3A_210 = arith.shrsi %parallel_loop3A_208, %parallel_loop3A_209 : i32
      %parallel_loop3A_211 = arith.constant 127 : i32
      %parallel_loop3A_212 = arith.andi %parallel_loop3A_208, %parallel_loop3A_211 : i32
      %parallel_loop3A_213 = arith.constant 16 : i32
      %parallel_loop3A_214 = arith.muli %parallel_loop3A_212, %parallel_loop3A_213 : i32
      %parallel_loop3A_215 = arith.index_cast %parallel_loop3A_210 : i32 to index
      %parallel_loop3A_216 = arith.index_cast %parallel_loop3A_214 : i32 to index
      %parallel_loop3A_217 = tpu.vector_load %arg4[%parallel_loop3A_215, %parallel_loop3A_216] {strides = array<i32>} : memref<16x2048xf32, #tpu.memory_space<vmem>>, vector<1x16xf32>,
      %parallel_loop3A_218 = vector.shape_cast %parallel_loop3A_217 : vector<1x16xf32> to vector<16xf32>
      %parallel_loop3A_219 = arith.constant 0.0220970865 : f32
      %parallel_loop3A_220 = vector.broadcast %parallel_loop3A_219 : f32 to vector<16xf32>
      %parallel_loop3A_221 = arith.mulf %parallel_loop3A_218, %parallel_loop3A_220 : vector<16xf32>
      %parallel_loop3A_222 = arith.index_cast %parallel_loop3A_210 : i32 to index
      %parallel_loop3A_223 = arith.index_cast %parallel_loop3A_214 : i32 to index
      %parallel_loop3A_224 = tpu.vector_load %arg4[%parallel_loop3A_222, %parallel_loop3A_223] {strides = array<i32>} : memref<16x2048xf32, #tpu.memory_space<vmem>>, vector<1x16xf32>,
      %parallel_loop3A_225 = vector.shape_cast %parallel_loop3A_224 : vector<1x16xf32> to vector<16xf32>
      %parallel_loop3A_226 = vector.shape_cast %parallel_loop3A_221 : vector<16xf32> to vector<1x16xf32>
      tpu.vector_store %arg4[%parallel_loop3A_222, %parallel_loop3A_223], %parallel_loop3A_226 {strides = array<i32>} : memref<16x2048xf32, #tpu.memory_space<vmem>>, vector<1x16xf32>,
    } {sc.loop_unroll_factor = 8 : i64, sc.parallel_access}
    %add3A_175 = arith.constant 224 : i32
    %add3A_176 = arith.addi %multiple_of3A, %add3A_175 : i32
    %dma_start3A_177 = arith.constant 0 : i32
    %dma_start3A_178 = tpu.memref_slice %arg2[%add3A_176, %dma_start3A_177] : memref<8192x2048xf32, #tpu.memory_space<hbm>> -> memref<16x2048xf32, #tpu.memory_space<hbm>>
    %dma_start3A_179 = arith.constant 0 : i32
    %dma_start3A_180 = tpu.memref_slice %arg2[%add3A_176, %dma_start3A_179] : memref<8192x2048xf32, #tpu.memory_space<hbm>> -> memref<16x2048xf32, #tpu.memory_space<hbm>>
    tpu.enqueue_dma source(%dma_start3A_180 : memref<16x2048xf32, #tpu.memory_space<hbm>>) target(%arg6 : memref<16x2048xf32, #tpu.memory_space<vmem>>) target_semaphore(%arg9 : memref<!tpu.dma_semaphore, #tpu.memory_space<semaphore_mem>>)
    %dma_wait3A_181 = arith.constant 0 : i32
    %dma_wait3A_182 = tpu.memref_slice %arg2[%add3A_163, %dma_wait3A_181] : memref<8192x2048xf32, #tpu.memory_space<hbm>> -> memref<16x2048xf32, #tpu.memory_space<hbm>>
    %dma_wait3A_183 = arith.constant 0 : i32
    %dma_wait3A_184 = tpu.memref_slice %arg2[%add3A_163, %dma_wait3A_183] : memref<8192x2048xf32, #tpu.memory_space<hbm>> -> memref<16x2048xf32, #tpu.memory_space<hbm>>
    tpu.wait_dma2 semaphore(%arg8 : memref<!tpu.dma_semaphore, #tpu.memory_space<semaphore_mem>>) src(%dma_wait3A_184 : memref<16x2048xf32, #tpu.memory_space<hbm>>) dst(%arg5 : memref<16x2048xf32, #tpu.memory_space<vmem>>)
    %parallel_loop3A_185 = arith.constant 0 : i32
    %parallel_loop3A_186 = arith.constant 2048 : i32
    %parallel_loop3A_187 = arith.constant 1 : i32
    scf.for %parallel_loop3A_208 = %parallel_loop3A_185 to %parallel_loop3A_186 step %parallel_loop3A_187  : i32 {
      %parallel_loop3A_209 = arith.constant 7 : i32
      %parallel_loop3A_210 = arith.shrsi %parallel_loop3A_208, %parallel_loop3A_209 : i32
      %parallel_loop3A_211 = arith.constant 127 : i32
      %parallel_loop3A_212 = arith.andi %parallel_loop3A_208, %parallel_loop3A_211 : i32
      %parallel_loop3A_213 = arith.constant 16 : i32
      %parallel_loop3A_214 = arith.muli %parallel_loop3A_212, %parallel_loop3A_213 : i32
      %parallel_loop3A_215 = arith.index_cast %parallel_loop3A_210 : i32 to index
      %parallel_loop3A_216 = arith.index_cast %parallel_loop3A_214 : i32 to index
      %parallel_loop3A_217 = tpu.vector_load %arg5[%parallel_loop3A_215, %parallel_loop3A_216] {strides = array<i32>} : memref<16x2048xf32, #tpu.memory_space<vmem>>, vector<1x16xf32>,
      %parallel_loop3A_218 = vector.shape_cast %parallel_loop3A_217 : vector<1x16xf32> to vector<16xf32>
      %parallel_loop3A_219 = arith.constant 0.0220970865 : f32
      %parallel_loop3A_220 = vector.broadcast %parallel_loop3A_219 : f32 to vector<16xf32>
      %parallel_loop3A_221 = arith.mulf %parallel_loop3A_218, %parallel_loop3A_220 : vector<16xf32>
      %parallel_loop3A_222 = arith.index_cast %parallel_loop3A_210 : i32 to index
      %parallel_loop3A_223 = arith.index_cast %parallel_loop3A_214 : i32 to index
      %parallel_loop3A_224 = tpu.vector_load %arg5[%parallel_loop3A_222, %parallel_loop3A_223] {strides = array<i32>} : memref<16x2048xf32, #tpu.memory_space<vmem>>, vector<1x16xf32>,
      %parallel_loop3A_225 = vector.shape_cast %parallel_loop3A_224 : vector<1x16xf32> to vector<16xf32>
      %parallel_loop3A_226 = vector.shape_cast %parallel_loop3A_221 : vector<16xf32> to vector<1x16xf32>
      tpu.vector_store %arg5[%parallel_loop3A_222, %parallel_loop3A_223], %parallel_loop3A_226 {strides = array<i32>} : memref<16x2048xf32, #tpu.memory_space<vmem>>, vector<1x16xf32>,
    } {sc.loop_unroll_factor = 8 : i64, sc.parallel_access}
    %add3A_188 = arith.constant 240 : i32
    %add3A_189 = arith.addi %multiple_of3A, %add3A_188 : i32
    %dma_start3A_190 = arith.constant 0 : i32
    %dma_start3A_191 = tpu.memref_slice %arg2[%add3A_189, %dma_start3A_190] : memref<8192x2048xf32, #tpu.memory_space<hbm>> -> memref<16x2048xf32, #tpu.memory_space<hbm>>
    %dma_start3A_192 = arith.constant 0 : i32
    %dma_start3A_193 = tpu.memref_slice %arg2[%add3A_189, %dma_start3A_192] : memref<8192x2048xf32, #tpu.memory_space<hbm>> -> memref<16x2048xf32, #tpu.memory_space<hbm>>
    tpu.enqueue_dma source(%dma_start3A_193 : memref<16x2048xf32, #tpu.memory_space<hbm>>) target(%arg4 : memref<16x2048xf32, #tpu.memory_space<vmem>>) target_semaphore(%arg7 : memref<!tpu.dma_semaphore, #tpu.memory_space<semaphore_mem>>)
    %dma_wait3A_194 = arith.constant 0 : i32
    %dma_wait3A_195 = tpu.memref_slice %arg2[%add3A_176, %dma_wait3A_194] : memref<8192x2048xf32, #tpu.memory_space<hbm>> -> memref<16x2048xf32, #tpu.memory_space<hbm>>
    %dma_wait3A_196 = arith.constant 0 : i32
    %dma_wait3A_197 = tpu.memref_slice %arg2[%add3A_176, %dma_wait3A_196] : memref<8192x2048xf32, #tpu.memory_space<hbm>> -> memref<16x2048xf32, #tpu.memory_space<hbm>>
    tpu.wait_dma2 semaphore(%arg9 : memref<!tpu.dma_semaphore, #tpu.memory_space<semaphore_mem>>) src(%dma_wait3A_197 : memref<16x2048xf32, #tpu.memory_space<hbm>>) dst(%arg6 : memref<16x2048xf32, #tpu.memory_space<vmem>>)
    %parallel_loop3A_198 = arith.constant 0 : i32
    %parallel_loop3A_199 = arith.constant 2048 : i32
    %parallel_loop3A_200 = arith.constant 1 : i32
    scf.for %parallel_loop3A_208 = %parallel_loop3A_198 to %parallel_loop3A_199 step %parallel_loop3A_200  : i32 {
      %parallel_loop3A_209 = arith.constant 7 : i32
      %parallel_loop3A_210 = arith.shrsi %parallel_loop3A_208, %parallel_loop3A_209 : i32
      %parallel_loop3A_211 = arith.constant 127 : i32
      %parallel_loop3A_212 = arith.andi %parallel_loop3A_208, %parallel_loop3A_211 : i32
      %parallel_loop3A_213 = arith.constant 16 : i32
      %parallel_loop3A_214 = arith.muli %parallel_loop3A_212, %parallel_loop3A_213 : i32
      %parallel_loop3A_215 = arith.index_cast %parallel_loop3A_210 : i32 to index
      %parallel_loop3A_216 = arith.index_cast %parallel_loop3A_214 : i32 to index
      %parallel_loop3A_217 = tpu.vector_load %arg6[%parallel_loop3A_215, %parallel_loop3A_216] {strides = array<i32>} : memref<16x2048xf32, #tpu.memory_space<vmem>>, vector<1x16xf32>,
      %parallel_loop3A_218 = vector.shape_cast %parallel_loop3A_217 : vector<1x16xf32> to vector<16xf32>
      %parallel_loop3A_219 = arith.constant 0.0220970865 : f32
      %parallel_loop3A_220 = vector.broadcast %parallel_loop3A_219 : f32 to vector<16xf32>
      %parallel_loop3A_221 = arith.mulf %parallel_loop3A_218, %parallel_loop3A_220 : vector<16xf32>
      %parallel_loop3A_222 = arith.index_cast %parallel_loop3A_210 : i32 to index
      %parallel_loop3A_223 = arith.index_cast %parallel_loop3A_214 : i32 to index
      %parallel_loop3A_224 = tpu.vector_load %arg6[%parallel_loop3A_222, %parallel_loop3A_223] {strides = array<i32>} : memref<16x2048xf32, #tpu.memory_space<vmem>>, vector<1x16xf32>,
      %parallel_loop3A_225 = vector.shape_cast %parallel_loop3A_224 : vector<1x16xf32> to vector<16xf32>
      %parallel_loop3A_226 = vector.shape_cast %parallel_loop3A_221 : vector<16xf32> to vector<1x16xf32>
      tpu.vector_store %arg6[%parallel_loop3A_222, %parallel_loop3A_223], %parallel_loop3A_226 {strides = array<i32>} : memref<16x2048xf32, #tpu.memory_space<vmem>>, vector<1x16xf32>,
    } {sc.loop_unroll_factor = 8 : i64, sc.parallel_access}
    %dma_wait3A_201 = arith.constant 0 : i32
    %dma_wait3A_202 = tpu.memref_slice %arg2[%add3A_189, %dma_wait3A_201] : memref<8192x2048xf32, #tpu.memory_space<hbm>> -> memref<16x2048xf32, #tpu.memory_space<hbm>>
    %dma_wait3A_203 = arith.constant 0 : i32
    %dma_wait3A_204 = tpu.memref_slice %arg2[%add3A_189, %dma_wait3A_203] : memref<8192x2048xf32, #tpu.memory_space<hbm>> -> memref<16x2048xf32, #tpu.memory_space<hbm>>
    tpu.wait_dma2 semaphore(%arg7 : memref<!tpu.dma_semaphore, #tpu.memory_space<semaphore_mem>>) src(%dma_wait3A_204 : memref<16x2048xf32, #tpu.memory_space<hbm>>) dst(%arg4 : memref<16x2048xf32, #tpu.memory_space<vmem>>)
    %parallel_loop3A_205 = arith.constant 0 : i32
    %parallel_loop3A_206 = arith.constant 2048 : i32
    %parallel_loop3A_207 = arith.constant 1 : i32
    scf.for %parallel_loop3A_208 = %parallel_loop3A_205 to %parallel_loop3A_206 step %parallel_loop3A_207  : i32 {
      %parallel_loop3A_209 = arith.constant 7 : i32
      %parallel_loop3A_210 = arith.shrsi %parallel_loop3A_208, %parallel_loop3A_209 : i32
      %parallel_loop3A_211 = arith.constant 127 : i32
      %parallel_loop3A_212 = arith.andi %parallel_loop3A_208, %parallel_loop3A_211 : i32
      %parallel_loop3A_213 = arith.constant 16 : i32
      %parallel_loop3A_214 = arith.muli %parallel_loop3A_212, %parallel_loop3A_213 : i32
      %parallel_loop3A_215 = arith.index_cast %parallel_loop3A_210 : i32 to index
      %parallel_loop3A_216 = arith.index_cast %parallel_loop3A_214 : i32 to index
      %parallel_loop3A_217 = tpu.vector_load %arg4[%parallel_loop3A_215, %parallel_loop3A_216] {strides = array<i32>} : memref<16x2048xf32, #tpu.memory_space<vmem>>, vector<1x16xf32>,
      %parallel_loop3A_218 = vector.shape_cast %parallel_loop3A_217 : vector<1x16xf32> to vector<16xf32>
      %parallel_loop3A_219 = arith.constant 0.0220970865 : f32
      %parallel_loop3A_220 = vector.broadcast %parallel_loop3A_219 : f32 to vector<16xf32>
      %parallel_loop3A_221 = arith.mulf %parallel_loop3A_218, %parallel_loop3A_220 : vector<16xf32>
      %parallel_loop3A_222 = arith.index_cast %parallel_loop3A_210 : i32 to index
      %parallel_loop3A_223 = arith.index_cast %parallel_loop3A_214 : i32 to index
      %parallel_loop3A_224 = tpu.vector_load %arg4[%parallel_loop3A_222, %parallel_loop3A_223] {strides = array<i32>} : memref<16x2048xf32, #tpu.memory_space<vmem>>, vector<1x16xf32>,
      %parallel_loop3A_225 = vector.shape_cast %parallel_loop3A_224 : vector<1x16xf32> to vector<16xf32>
      %parallel_loop3A_226 = vector.shape_cast %parallel_loop3A_221 : vector<16xf32> to vector<1x16xf32>
      tpu.vector_store %arg4[%parallel_loop3A_222, %parallel_loop3A_223], %parallel_loop3A_226 {strides = array<i32>} : memref<16x2048xf32, #tpu.memory_space<vmem>>, vector<1x16xf32>,
    } {sc.loop_unroll_factor = 8 : i64, sc.parallel_access}
    return
  }
}

</mosaic_0001>

<sc_bundles>
// kernel: kernel.3.cloned.1.call-start
scs
__scs_entry_jumppad:
0x0: {  	(pc) =	sbr.rel $0x88, $3  }
0x1: {  	(tag) =	ssettag $0x0;
	lr =	simm.s32 $0x1  }
0x2: {  	[smem:$0x3FA0] =	sst lr;
	_ =	strace $0xD0000000  }
0x3: {  	_ = 	snop  }
0x4: {  	_ = 	snop  }
0x5: {  	_ = 	snop  }
0x6: {  	_ = 	snop  }
0x7: {  	_ = 	snop  }
__scs_overlays_trampoline_lowered:
0x8: {  	[smem:$0x3FAF] =	sst s0  }
0x9: {  	[smem:$0x3FB0] =	sst s1  }
0xa: {  	[smem:$0x3FB1] =	sst s2  }
0xb: {  	[smem:$0x3FB2] =	sst s3  }
0xc: {  	[smem:$0x3FB3] =	sst s4  }
0xd: {  	[smem:$0x3FB4] =	sst s5  }
0xe: {  	[smem:$0x3FB5] =	sst s6  }
0xf: {  	[smem:$0x3FB6] =	sst s7  }
0x10: {  	[smem:$0x3FB7] =	sst s8  }
0x11: {  	[smem:$0x3FB8] =	sst s9;
	s0 =	simm.s32 @!p0 $0x0  }
0x12: {  	s1 =	sld [smem:$0x3F9E];
	s0 =	simm.s32 @p0 $0x1  }
0x13: {  	[smem:$0x3FB9] =	sst s0;
	s0 =	simm.s32 @!p1 $0x0  }
0x14: {  	s2 =	sld [smem:$0x3F9D];
	s0 =	simm.s32 @p1 $0x1  }
0x15: {  	[smem:$0x3FBA] =	sst s0;
	s0 =	simm.s32 @!p2 $0x0  }
0x16: {  	s3 =	sld [smem:$0x3FDB];
	s0 =	simm.s32 @p2 $0x1  }
0x17: {  	s4 =	simm.s32 $0x1BF5;
	[smem:$0x3FBC] =	sst s0  }
0x18: {  	s0 =	sld [smem:$0x3F9F];
	_ =	swait.ge [sflag:s4], $0x0  }
0x19: {  	s7 =	sld [smem:$0x3FA0]  }
0x1a: {  	s8 =	sadd.s32 $0xFFFFE003, lr  }
0x1b: {  	s9 =	sadd.s32 $0xFFFFFEF7, lr;
	s5 =	simm.s32 $0xFFFFFFFF;
	p2 =	slt.u32 s8, $0xFFFFF086  }
0x1c: {  	p1 =	slt.u32 s9, $0xF7A;
	s5 =	simm.s32 @!p2 $0x0  }
0x1d: {  	s5 =	simm.s32 @p1 $0x1;
	p0 =	seq.s32 s7, s2  }
0x1e: {  	s7 =	smul.u32 @!p0 $0xF7A, s2;
	p2 =	seq.s32 @!p0 s5, $0x0  }
0x1f: {  	s9 =	smul.u32 $0xF7A, s1;
	s8 =	simm.s32 @!p0 $0x1BF5;
	p2 =	por !p2, p0  }
0x20: {  	[sflag:s8] =	ssyncset.s32 @!p0 $0xFFFFF086;
	s6 =	sadd.s32 @!p0 s3, s7;
	s7 =	simm.s32 @!p0 $0x108  }
0x21: {  	s3 =	sadd.s32 s3, s9;
	s6 =	sadd.s32 @!p0 $0x88, s6;
	s7 =	simm.s32 @p2 $0x1082  }
0x22: {  	[simem:s7], [sflag:s8] =	dma.local @!p0 [hbm:s6], $0xF7A  }
0x23: {  	s9 =	sor.u32 $0xD0000000, s2;
	s6 =	simm.s32 $0x108;
	_ =	swait.ge @!p0 [sflag:s8], $0x0  }
0x24: {  	s3 =	sadd.s32 $0x88, s3;
	s6 =	simm.s32 @!p1 $0x1082;
	[sflag:s4] =	ssyncset.s32 $0xFFFFF086  }
0x25: {  	[simem:s6], [sflag:s4] =	dma.local [hbm:s3], $0xF7A  }
0x26: {  	[smem:$0x3FA0] =	sst s1;
	(tag) =	ssettag s2;
	_ =	strace s9  }
0x27: {  	s1 =	sld [smem:$0x3FB0]  }
0x28: {  	s2 =	sld [smem:$0x3FB1]  }
0x29: {  	s4 =	sld [smem:$0x3FB3]  }
0x2a: {  	p0 =	seq.s32 s5, $0x0;
	s5 =	sld [smem:$0x3FB4]  }
0x2b: {  	s6 =	sld [smem:$0x3FB5]  }
0x2c: {  	s7 =	sld [smem:$0x3FB6]  }
0x2d: {  	s3 =	simm.s32 $0x108;
	s8 =	sld [smem:$0x3FB7]  }
0x2e: {  	s3 =	simm.s32 @!p0 $0x1082;
	s9 =	sld [smem:$0x3FB8]  }
0x2f: {  	lr =	sadd.s32 s0, s3;
	s0 =	sld [smem:$0x3FAF]  }
0x30: {  	s3 =	sld [smem:$0x3FB2]  }
0x31: {  	[smem:$0x3FBB] =	sst s10  }
0x32: {  	s10 =	sld [smem:$0x3FB9];
	_ =	sdelay $0x3  }
0x33: {  	p0 =	seq.s32 s10, $0x1;
	s10 =	sld [smem:$0x3FBB];
	_ =	sdelay $0x3  }
0x34: {  	[smem:$0x3FBB] =	sst s10  }
0x35: {  	s10 =	sld [smem:$0x3FBA];
	_ =	sdelay $0x3  }
0x36: {  	p1 =	seq.s32 s10, $0x1;
	s10 =	sld [smem:$0x3FBB];
	_ =	sdelay $0x3  }
0x37: {  	[smem:$0x3FBB] =	sst s10  }
0x38: {  	s10 =	sld [smem:$0x3FBC]  }
0x39: {  	_ = 	snop;
	(pc) =	sbr.ind lr, $3  }
0x3a: {  	_ = 	snop  }
0x3b: {  	_ = 	snop  }
0x3c: {  	p2 =	seq.s32 s10, $0x1;
	s10 =	sld [smem:$0x3FBB]  }
0x3d: {  	_ =	shalt  }
0x3e: {  	_ =	shalt  }
0x3f: {  	_ =	shalt  }
0x40: {  	_ =	shalt  }
0x41: {  	_ =	shalt  }
0x42: {  	_ =	shalt  }
0x43: {  	_ =	shalt  }
0x44: {  	_ =	shalt  }
0x45: {  	_ =	shalt  }
0x46: {  	_ =	shalt  }
0x47: {  	_ =	shalt  }
0x48: {  	_ =	shalt  }
0x49: {  	_ =	shalt  }
0x4a: {  	_ =	shalt  }
0x4b: {  	_ =	shalt  }
0x4c: {  	_ =	shalt  }
0x4d: {  	_ =	shalt  }
0x4e: {  	_ =	shalt  }
0x4f: {  	_ =	shalt  }
0x50: {  	_ =	shalt  }
0x51: {  	_ =	shalt  }
0x52: {  	_ =	shalt  }
0x53: {  	_ =	shalt  }
0x54: {  	_ =	shalt  }
0x55: {  	_ =	shalt  }
0x56: {  	_ =	shalt  }
0x57: {  	_ =	shalt  }
0x58: {  	_ =	shalt  }
0x59: {  	_ =	shalt  }
0x5a: {  	_ =	shalt  }
0x5b: {  	_ =	shalt  }
0x5c: {  	_ =	shalt  }
0x5d: {  	_ =	shalt  }
0x5e: {  	_ =	shalt  }
0x5f: {  	_ =	shalt  }
0x60: {  	_ =	shalt  }
0x61: {  	_ =	shalt  }
0x62: {  	_ =	shalt  }
0x63: {  	_ =	shalt  }
0x64: {  	_ =	shalt  }
0x65: {  	_ =	shalt  }
0x66: {  	_ =	shalt  }
0x67: {  	_ =	shalt  }
0x68: {  	_ =	shalt  }
0x69: {  	_ =	shalt  }
0x6a: {  	_ =	shalt  }
0x6b: {  	_ =	shalt  }
0x6c: {  	_ =	shalt  }
0x6d: {  	_ =	shalt  }
0x6e: {  	_ =	shalt  }
0x6f: {  	_ =	shalt  }
0x70: {  	_ =	shalt  }
0x71: {  	_ =	shalt  }
0x72: {  	_ =	shalt  }
0x73: {  	_ =	shalt  }
0x74: {  	_ =	shalt  }
0x75: {  	_ =	shalt  }
0x76: {  	_ =	shalt  }
0x77: {  	_ =	shalt  }
0x78: {  	_ =	shalt  }
0x79: {  	_ =	shalt  }
0x7a: {  	_ =	shalt  }
0x7b: {  	_ =	shalt  }
0x7c: {  	_ =	shalt  }
0x7d: {  	_ =	shalt  }
0x7e: {  	_ =	shalt  }
0x7f: {  	_ =	shalt  }
0x80: {  	_ =	shalt  }
0x81: {  	_ =	shalt  }
0x82: {  	_ =	shalt  }
0x83: {  	_ =	shalt  }
0x84: {  	_ =	shalt  }
0x85: {  	_ =	shalt  }
0x86: {  	_ =	shalt  }
0x87: {  	_ =	shalt  }
.Lfunc_end0:
.L_simem_size_0:
called_computation_lowered:
.L_overlay_start_0:
0x88: {  	s2 =	sld [smem:$0x3FD9]  }
0x89: {  	s3 =	sld [smem:$0x3FFE];
	_ =	sdelay $0x1  }
0x8a: {  	s1 =	srdreg.scid  }
0x8b: {  	s0 =	sand.u32 $0x1, s1  }
0x8c: {  	s18 =	sshll.u32 s0, $0xA;
	s2 =	sadd.s32 s3, s2  }
0x8d: {  	s2 =	sadd.s32 s2, s18  }
0x8e: {  	[smem:$0x3FC7] =	sst s2  }
0x8f: {  	_ = 	snop  }
0x90: {  	s2 =	sld [smem:$0x3FC9];
	(tm) =	ssettm $0x1  }
0x91: {  	s19 =	sld [smem:$0x3FFB];
	_ =	sdelay $0x3  }
0x92: {  	_ =	strace s19  }
0x93: {  	s3 =	sld [smem:$0x3FFC];
	_ =	sdelay $0x3  }
0x94: {  	_ =	strace s3  }
0x95: {  	s3 =	sld [smem:$0x3FFD];
	_ =	sdelay $0x3  }
0x96: {  	_ =	strace s3  }
0x97: {  	_ =	strace $0x8FFFFFFF  }
0x98: {  	s20 =	sld [smem:$0x3FDB];
	_ =	sdelay $0x1  }
0x99: {  	s4 =	simm.s32 $_scs_section_size  }
0x9a: {  	s5 =	simm.s32 $_size__tile_overlayer_lowered;
	s6 =	simm.s32 $_tile_overlayer_lowered  }
0x9b: {  	s23 =	simm.s32 $0x1BFF;
	s22 =	sshll.u32 s6, $0x1;
	s3 =	sadd.s32 s4, s20  }
0x9c: {  	s7 =	simm.s32 $0x0;
	s21 =	sshll.u32 s5, $0x1;
	s5 =	sadd.s32 s22, s3  }
0x9d: {  	[timem:s7], [sflag:s23] =	dma.local [hbm:s5], s21  }
0x9e: {  	_ =	swait.ge [sflag:s23], s21  }
0x9f: {  	s4 =	ssub.s32 $0x0, s21;
	[sflag:s23] =	ssyncset.done $0x0  }
0xa0: {  	[sflag:s23] =	ssyncadd.s32 s4;
	_ =	sdelay $0x1  }
0xa1: {  	s24 =	simm.s32 $0x1B8B  }
0xa2: {  	_ =	swait.ge [sflag:s24], $0x1  }
0xa3: {  	[sflag:s24] =	ssyncset.done $0x0  }
0xa4: {  	s25 =	simm.s32 $0x1B8E;
	[sflag:s24] =	ssyncadd.s32 $0xFFFFFFFF  }
0xa5: {  	s26 =	simm.s32 $execute0_lowered;
	[smem:$0x3FD2] =	sst s25  }
0xa6: {  	s4 =	sshll.u32 s26, $0x1;
	_ =	strace $0x80000046;
	[dreg:$0x1] =	wrdreg $0xFFFFFFFF  }
0xa7: {  	s28 =	simm.s32 $_size_execute0_lowered;
	s3 =	sadd.s32 s3, s4;
	[dreg:$0x0] =	wrdreg $0x0  }
0xa8: {  	s4 =	sshll.u32 s28, $0x1;
	[dreg:$0x2] =	wrdreg s3  }
0xa9: {  	[dreg:$0x3] =	wrdreg s4  }
0xaa: {  	[dreg:$0x4] =	wrdreg $0xC0  }
0xab: {  	_ =	task [dreg:s7], $0x5FFFF  }
0xac: {  	[dreg:$0x1] =	wrdreg $0xFFFFFFFF  }
0xad: {  	[dreg:$0x0] =	wrdreg $0x60  }
0xae: {  	[dreg:$0x2] =	wrdreg s2  }
0xaf: {  	[dreg:$0x3] =	wrdreg $0x9  }
0xb0: {  	_ =	task.clear_ibuf [dreg:s7], $0x4FFFF;
	_ =	strace $0x90000046  }
0xb1: {  	s29 =	simm.s32 $0x9;
	_ =	strace $0x80000048  }
0xb2: {  	_ =	swait.ge [sflag:s29], $0x1  }
0xb3: {  	[sflag:s29] =	ssyncadd.s32 $0xFFFFFFFF  }
0xb4: {  	_ =	strace $0x90000048  }
0xb5: {  	_ =	sfence  }
0xb6: {  	s30 =	sld [smem:$0x0];
	_ =	sdelay $0x2  }
0xb7: {  	s31 =	sshll.u32 s1, $0xD;
	s1 =	sshrl.u32 s1, $0x2  }
0xb8: {  	s3 =	sand.u32 $0x4000, s31;
	s1 =	sadd.s32 s1, s30  }
0xb9: {  	s0 =	sor.u32 s3, s0;
	s1 =	sshll.u32 s1, $0x11  }
0xba: {  	s0 =	sor.u32 s1, s0  }
0xbb: {  	s0 =	sadd.s32 $0x8F2B, s0  }
0xbc: {  	[sflag:s0] =	ssyncadd.remote.s32 $0x1  }
0xbd: {  	_ =	sfence.sel $0xFFFF  }
0xbe: {  	[dreg:$0x0] =	wrdreg $0xFFFFFFFF;
	(pc) =	sbr.abs _section_cstart, $3  }
0xbf: {  	[dreg:$0x1] =	wrdreg $0xFFFFFFFF  }
0xc0: {  	_ =	task.clear_ibuf [dreg:s7], $0x2FFFF;
	_ =	strace $0x9FFFFFFF  }
0xc1: {  	(tm) =	ssettm $0x7FFFFFFF  }
tec
execute0_lowered:
.L_overlay_start_1:
0x0: {  	(tag) =	ssettag $0x1  }
0x1: {  	s0 =	srdreg.scid  }
0x2: {  	s3 =	rddreg [dreg:$0x0];
	s1 =	stileid.u32;
	s2 =	simm.s32 $0x0  }
0x3: {  	s20 =	simm.s32 $0x8000;
	s21 =	simm.s32 $0x1;
	s22 =	simm.s32 $0x10000  }
0x4: {  	s23 =	simm.s32 $0x2;
	s24 =	simm.s32 $0x3;
	s4 =	sand.u32 $0x1, s0  }
0x5: {  	s25 =	simm.s32 $0x0;
	s5 =	sshll.u32 s1, $0x11;
	s6 =	sshll.u32 s4, $0x10  }
0x6: {  	[smem:$0x7FF] =	sst s2;
	s4 =	ssub.s32 $0x2, s4;
	s5 =	sor.u32 s6, s5  }
0x7: {  	_ =	strace $0x80000047;
	s30 =	sshrl.u32 s4, $0x1;
	s3 =	sadd.s32 s3, s5  }
0x8: {  	s19 =	ssub.s32 s4, s30;
	s31 =	sadd.s32 $0x1000, s3;
	s5 =	sadd.s32 $0x2000, s3  }
0x9: {  	s6 =	sadd.s32 $0x3000, s3;
	s7 =	sadd.s32 $0x4000, s3;
	s8 =	sadd.s32 $0x5000, s3  }
0xa: {  	s9 =	sadd.s32 $0x6000, s3;
	s10 =	sadd.s32 $0x7000, s3;
	s11 =	sadd.s32 $0x8000, s3  }
0xb: {  	s12 =	sadd.s32 $0x9000, s3;
	s13 =	sadd.s32 $0xA000, s3;
	s14 =	sadd.s32 $0xB000, s3  }
0xc: {  	s15 =	sadd.s32 $0xC000, s3;
	s16 =	sadd.s32 $0xD000, s3;
	s17 =	sadd.s32 $0xE000, s3  }
0xd: {  	s18 =	sadd.s32 $0xF000, s3;
	s19 =	smax.u32 s19, $0x1;
	[dreg:$0x2] =	wrdreg s31  }
.LBB2_1:
0xe: {  	[tilespmem:s2], [sflag:$0x1] =	stream.linear.gather [hbm4b:s3+s2], $0x8000, $0x38;
	[tilespmem:$0x18000] =	vst v63  }
0xf: {  	s0 =	rddreg [dreg:$0x2];
	s26 =	simm.s32 $0x0  }
0x10: {  	[tilespmem:s20], [sflag:$0x2] =	stream.linear.gather [hbm4b:s0+s2], $0x8000, $0x38;
	[tilespmem:$0x18000] =	vst v63  }
0x11: {  	s28 =	sand.u32 $0x4000, s2;
	s29 =	sand.u32 $0x3C00, s2;
	_ =	swait.ge [sflag:s21], $0x8000  }
0x12: {  	s26 =	sand.u32 $0x380, s26;
	s28 =	sor.u32 s29, s28;
	[sflag:s21] =	ssyncset.done $0x0  }
0x13: {  	s28 =	sor.u32 s26, s28;
	[sflag:s21] =	ssyncadd.s32 $0xFFFF8000  }
0x14: {  	v0 =	vld [tilespmem:s28+$0x70]  }
0x15: {  	v1 =	vld [tilespmem:s28+$0x0]  }
0x16: {  	v2 =	vld [tilespmem:s28+$0x10]  }
0x17: {  	v6 =	vld [tilespmem:s28+$0x40]  }
0x18: {  	s4 =	simm.s32 $0x400;
	s30 =	simm.s32 $0x80;
	v3 =	vld [tilespmem:s28+$0x20]  }
0x19: {  	s29 =	simm.s32 $0x8;
	s30 =	sand.u32 $0x4000, s30;
	s26 =	sand.u32 $0x3C00, s4;
	v5 =	vld [tilespmem:s28+$0x30];
	v0 =	vmul.f32 $2.209708650e-02, v0  }
0x1a: {  	s31 =	sand.u32 $0x380, s29;
	s26 =	sor.u32 s26, s30;
	v7 =	vld [tilespmem:s28+$0x50];
	v1 =	vmul.f32 $2.209708650e-02, v1  }
0x1b: {  	s26 =	sor.u32 s31, s26;
	v9 =	vld [tilespmem:s28+$0x60];
	v8 =	vmul.f32 $2.209708650e-02, v2;
	[tilespmem:s28+$0x70] =	vst v0  }
0x1c: {  	v4 =	vld [tilespmem:s26+$0x70];
	v6 =	vmul.f32 $2.209708650e-02, v6;
	[tilespmem:s28+$0x0] =	vst v1  }
0x1d: {  	v2 =	vld [tilespmem:s26+$0x0];
	v0 =	vmul.f32 $2.209708650e-02, v3;
	[tilespmem:s28+$0x10] =	vst v8  }
0x1e: {  	v1 =	vmul.f32 $2.209708650e-02, v5;
	v3 =	vld [tilespmem:s26+$0x10];
	[tilespmem:s28+$0x40] =	vst v6  }
0x1f: {  	v5 =	vmul.f32 $2.209708650e-02, v7;
	[tilespmem:s28+$0x20] =	vst v0;
	v0 =	vld [tilespmem:s26+$0x20]  }
0x20: {  	s30 =	simm.s32 $0x800;
	s31 =	simm.s32 $0x100;
	v6 =	vmul.f32 $2.209708650e-02, v9;
	[tilespmem:s28+$0x30] =	vst v1;
	v1 =	vld [tilespmem:s26+$0x30]  }
.LBB2_2:
0x21: {  	s29 =	sadd.s32 $0x8, s29;
	s0 =	sand.u32 $0x4000, s31;
	s1 =	sand.u32 $0x3C00, s30;
	v7 =	vld [tilespmem:s26+$0x40];
	v4 =	vmul.f32 $2.209708650e-02, v4;
	[tilespmem:s28+$0x50] =	vst v5  }
0x22: {  	s4 =	sand.u32 $0x380, s29;
	s0 =	sor.u32 s1, s0;
	p0 =	slt.u32 s29, $0x7F8;
	v2 =	vmul.f32 $2.209708650e-02, v2;
	v5 =	vld [tilespmem:s26+$0x50];
	[tilespmem:s28+$0x60] =	vst v6  }
0x23: {  	s28 =	smov.u32 s26;
	v3 =	vmul.f32 $2.209708650e-02, v3;
	v6 =	vld [tilespmem:s26+$0x60];
	[tilespmem:s26+$0x70] =	vst v4;
	s26 =	sor.u32 s4, s0  }
.Ltmp0:
0x24: {  	v4 =	vld [tilespmem:s26+$0x70];
	[tilespmem:s28+$0x0] =	vst v2;
	v0 =	vmul.f32 $2.209708650e-02, v0;
	(pc) =	sbr.rel @p0 .LBB2_2-.Ltmp0, $4  }
0x25: {  	v2 =	vld [tilespmem:s26+$0x0];
	[tilespmem:s28+$0x10] =	vst v3;
	v1 =	vmul.f32 $2.209708650e-02, v1  }
0x26: {  	v3 =	vld [tilespmem:s26+$0x10];
	[tilespmem:s28+$0x20] =	vst v0;
	v7 =	vmul.f32 $2.209708650e-02, v7  }
0x27: {  	v0 =	vld [tilespmem:s26+$0x20];
	[tilespmem:s28+$0x30] =	vst v1;
	v5 =	vmul.f32 $2.209708650e-02, v5  }
0x28: {  	s30 =	sadd.s32 $0x400, s30;
	s31 =	sadd.s32 $0x80, s31;
	v1 =	vld [tilespmem:s26+$0x30];
	[tilespmem:s28+$0x40] =	vst v7;
	v6 =	vmul.f32 $2.209708650e-02, v6  }
0x29: {  	v7 =	vld [tilespmem:s26+$0x40];
	v4 =	vmul.f32 $2.209708650e-02, v4;
	[tilespmem:s28+$0x50] =	vst v5  }
0x2a: {  	v5 =	vld [tilespmem:s26+$0x50];
	v2 =	vmul.f32 $2.209708650e-02, v2;
	[tilespmem:s28+$0x60] =	vst v6  }
0x2b: {  	v6 =	vld [tilespmem:s26+$0x60];
	v3 =	vmul.f32 $2.209708650e-02, v3;
	[tilespmem:s26+$0x70] =	vst v4  }
0x2c: {  	[tilespmem:s26+$0x0] =	vst v2;
	v0 =	vmul.f32 $2.209708650e-02, v0  }
0x2d: {  	[tilespmem:s26+$0x10] =	vst v3;
	v1 =	vmul.f32 $2.209708650e-02, v1  }
0x2e: {  	[tilespmem:s26+$0x20] =	vst v0;
	v0 =	vmul.f32 $2.209708650e-02, v7  }
0x2f: {  	[tilespmem:s26+$0x30] =	vst v1;
	v1 =	vmul.f32 $2.209708650e-02, v5  }
0x30: {  	[tilespmem:s26+$0x40] =	vst v0;
	v0 =	vmul.f32 $2.209708650e-02, v6  }
0x31: {  	[tilespmem:s26+$0x50] =	vst v1  }
0x32: {  	s0 =	simm.s32 $0x0;
	s1 =	simm.s32 $0x0;
	[tilespmem:s26+$0x60] =	vst v0  }
0x33: {  	[tilespmem:s22], [sflag:$0x3] =	stream.linear.gather [hbm4b:s5+s0], $0x8000, $0x38;
	[tilespmem:$0x18000] =	vst v63  }
0x34: {  	s4 =	sand.u32 $0x4000, s0;
	s0 =	sand.u32 $0x3C00, s0;
	_ =	swait.ge [sflag:s23], $0x8000  }
0x35: {  	s1 =	sand.u32 $0x380, s1;
	s0 =	sor.u32 s0, s4;
	[sflag:s23] =	ssyncset.done $0x0  }
0x36: {  	s28 =	sor.u32 s1, s0;
	[sflag:s23] =	ssyncadd.s32 $0xFFFF8000  }
0x37: {  	v0 =	vld [tilespmem:s28+$0x8070]  }
0x38: {  	v1 =	vld [tilespmem:s28+$0x8000]  }
0x39: {  	v2 =	vld [tilespmem:s28+$0x8010]  }
0x3a: {  	v6 =	vld [tilespmem:s28+$0x8040]  }
0x3b: {  	s26 =	simm.s32 $0x400;
	s4 =	simm.s32 $0x80;
	v3 =	vld [tilespmem:s28+$0x8020]  }
0x3c: {  	s29 =	simm.s32 $0x8;
	s1 =	sand.u32 $0x4000, s4;
	s0 =	sand.u32 $0x3C00, s26;
	v5 =	vld [tilespmem:s28+$0x8030];
	v0 =	vmul.f32 $2.209708650e-02, v0  }
0x3d: {  	s26 =	sand.u32 $0x380, s29;
	s0 =	sor.u32 s0, s1;
	v7 =	vld [tilespmem:s28+$0x8050];
	v1 =	vmul.f32 $2.209708650e-02, v1  }
0x3e: {  	s26 =	sor.u32 s26, s0;
	v9 =	vld [tilespmem:s28+$0x8060];
	v8 =	vmul.f32 $2.209708650e-02, v2;
	[tilespmem:s28+$0x8070] =	vst v0  }
0x3f: {  	v4 =	vld [tilespmem:s26+$0x8070];
	v6 =	vmul.f32 $2.209708650e-02, v6;
	[tilespmem:s28+$0x8000] =	vst v1  }
0x40: {  	v2 =	vld [tilespmem:s26+$0x8000];
	v0 =	vmul.f32 $2.209708650e-02, v3;
	[tilespmem:s28+$0x8010] =	vst v8  }
0x41: {  	v1 =	vmul.f32 $2.209708650e-02, v5;
	v3 =	vld [tilespmem:s26+$0x8010];
	[tilespmem:s28+$0x8040] =	vst v6  }
0x42: {  	v5 =	vmul.f32 $2.209708650e-02, v7;
	[tilespmem:s28+$0x8020] =	vst v0;
	v0 =	vld [tilespmem:s26+$0x8020]  }
0x43: {  	s30 =	simm.s32 $0x800;
	s31 =	simm.s32 $0x100;
	v6 =	vmul.f32 $2.209708650e-02, v9;
	[tilespmem:s28+$0x8030] =	vst v1;
	v1 =	vld [tilespmem:s26+$0x8030]  }
.LBB2_4:
0x44: {  	s29 =	sadd.s32 $0x8, s29;
	s0 =	sand.u32 $0x4000, s31;
	s1 =	sand.u32 $0x3C00, s30;
	v7 =	vld [tilespmem:s26+$0x8040];
	v4 =	vmul.f32 $2.209708650e-02, v4;
	[tilespmem:s28+$0x8050] =	vst v5  }
0x45: {  	s4 =	sand.u32 $0x380, s29;
	s0 =	sor.u32 s1, s0;
	p0 =	slt.u32 s29, $0x7F8;
	v2 =	vmul.f32 $2.209708650e-02, v2;
	v5 =	vld [tilespmem:s26+$0x8050];
	[tilespmem:s28+$0x8060] =	vst v6  }
0x46: {  	s28 =	smov.u32 s26;
	v3 =	vmul.f32 $2.209708650e-02, v3;
	v6 =	vld [tilespmem:s26+$0x8060];
	[tilespmem:s26+$0x8070] =	vst v4;
	s26 =	sor.u32 s4, s0  }
.Ltmp1:
0x47: {  	v4 =	vld [tilespmem:s26+$0x8070];
	[tilespmem:s28+$0x8000] =	vst v2;
	v0 =	vmul.f32 $2.209708650e-02, v0;
	(pc) =	sbr.rel @p0 .LBB2_4-.Ltmp1, $4  }
0x48: {  	v2 =	vld [tilespmem:s26+$0x8000];
	[tilespmem:s28+$0x8010] =	vst v3;
	v1 =	vmul.f32 $2.209708650e-02, v1  }
0x49: {  	v3 =	vld [tilespmem:s26+$0x8010];
	[tilespmem:s28+$0x8020] =	vst v0;
	v7 =	vmul.f32 $2.209708650e-02, v7  }
0x4a: {  	v0 =	vld [tilespmem:s26+$0x8020];
	[tilespmem:s28+$0x8030] =	vst v1;
	v5 =	vmul.f32 $2.209708650e-02, v5  }
0x4b: {  	s30 =	sadd.s32 $0x400, s30;
	s31 =	sadd.s32 $0x80, s31;
	v1 =	vld [tilespmem:s26+$0x8030];
	[tilespmem:s28+$0x8040] =	vst v7;
	v6 =	vmul.f32 $2.209708650e-02, v6  }
0x4c: {  	v7 =	vld [tilespmem:s26+$0x8040];
	v4 =	vmul.f32 $2.209708650e-02, v4;
	[tilespmem:s28+$0x8050] =	vst v5  }
0x4d: {  	v5 =	vld [tilespmem:s26+$0x8050];
	v2 =	vmul.f32 $2.209708650e-02, v2;
	[tilespmem:s28+$0x8060] =	vst v6  }
0x4e: {  	v6 =	vld [tilespmem:s26+$0x8060];
	v3 =	vmul.f32 $2.209708650e-02, v3;
	[tilespmem:s26+$0x8070] =	vst v4  }
0x4f: {  	[tilespmem:s26+$0x8000] =	vst v2;
	v0 =	vmul.f32 $2.209708650e-02, v0  }
0x50: {  	[tilespmem:s26+$0x8010] =	vst v3;
	v1 =	vmul.f32 $2.209708650e-02, v1  }
0x51: {  	[tilespmem:s26+$0x8020] =	vst v0;
	v0 =	vmul.f32 $2.209708650e-02, v7  }
0x52: {  	[tilespmem:s26+$0x8030] =	vst v1;
	v1 =	vmul.f32 $2.209708650e-02, v5  }
0x53: {  	[tilespmem:s26+$0x8040] =	vst v0;
	v0 =	vmul.f32 $2.209708650e-02, v6  }
0x54: {  	[tilespmem:s26+$0x8050] =	vst v1  }
0x55: {  	s0 =	simm.s32 $0x0;
	s1 =	simm.s32 $0x0;
	[tilespmem:s26+$0x8060] =	vst v0  }
0x56: {  	[tilespmem:s0], [sflag:$0x1] =	stream.linear.gather [hbm4b:s6+s0], $0x8000, $0x38;
	[tilespmem:$0x18000] =	vst v63  }
0x57: {  	s4 =	sand.u32 $0x4000, s0;
	s0 =	sand.u32 $0x3C00, s0;
	_ =	swait.ge [sflag:s24], $0x8000  }
0x58: {  	s1 =	sand.u32 $0x380, s1;
	s0 =	sor.u32 s0, s4;
	[sflag:s24] =	ssyncset.done $0x0  }
0x59: {  	s28 =	sor.u32 s1, s0;
	[sflag:s24] =	ssyncadd.s32 $0xFFFF8000  }
0x5a: {  	v0 =	vld [tilespmem:s28+$0x10070]  }
0x5b: {  	v1 =	vld [tilespmem:s28+$0x10000]  }
0x5c: {  	v2 =	vld [tilespmem:s28+$0x10010]  }
0x5d: {  	v6 =	vld [tilespmem:s28+$0x10040]  }
0x5e: {  	s26 =	simm.s32 $0x400;
	s4 =	simm.s32 $0x80;
	v3 =	vld [tilespmem:s28+$0x10020]  }
0x5f: {  	s29 =	simm.s32 $0x8;
	s1 =	sand.u32 $0x4000, s4;
	s0 =	sand.u32 $0x3C00, s26;
	v5 =	vld [tilespmem:s28+$0x10030];
	v0 =	vmul.f32 $2.209708650e-02, v0  }
0x60: {  	s26 =	sand.u32 $0x380, s29;
	s0 =	sor.u32 s0, s1;
	v7 =	vld [tilespmem:s28+$0x10050];
	v1 =	vmul.f32 $2.209708650e-02, v1  }
0x61: {  	s26 =	sor.u32 s26, s0;
	v9 =	vld [tilespmem:s28+$0x10060];
	v8 =	vmul.f32 $2.209708650e-02, v2;
	[tilespmem:s28+$0x10070] =	vst v0  }
0x62: {  	v4 =	vld [tilespmem:s26+$0x10070];
	v6 =	vmul.f32 $2.209708650e-02, v6;
	[tilespmem:s28+$0x10000] =	vst v1  }
0x63: {  	v2 =	vld [tilespmem:s26+$0x10000];
	v0 =	vmul.f32 $2.209708650e-02, v3;
	[tilespmem:s28+$0x10010] =	vst v8  }
0x64: {  	v1 =	vmul.f32 $2.209708650e-02, v5;
	v3 =	vld [tilespmem:s26+$0x10010];
	[tilespmem:s28+$0x10040] =	vst v6  }
0x65: {  	v5 =	vmul.f32 $2.209708650e-02, v7;
	[tilespmem:s28+$0x10020] =	vst v0;
	v0 =	vld [tilespmem:s26+$0x10020]  }
0x66: {  	s30 =	simm.s32 $0x800;
	s31 =	simm.s32 $0x100;
	v6 =	vmul.f32 $2.209708650e-02, v9;
	[tilespmem:s28+$0x10030] =	vst v1;
	v1 =	vld [tilespmem:s26+$0x10030]  }
.LBB2_6:
0x67: {  	s29 =	sadd.s32 $0x8, s29;
	s0 =	sand.u32 $0x4000, s31;
	s1 =	sand.u32 $0x3C00, s30;
	v7 =	vld [tilespmem:s26+$0x10040];
	v4 =	vmul.f32 $2.209708650e-02, v4;
	[tilespmem:s28+$0x10050] =	vst v5  }
0x68: {  	s4 =	sand.u32 $0x380, s29;
	s0 =	sor.u32 s1, s0;
	p0 =	slt.u32 s29, $0x7F8;
	v2 =	vmul.f32 $2.209708650e-02, v2;
	v5 =	vld [tilespmem:s26+$0x10050];
	[tilespmem:s28+$0x10060] =	vst v6  }
0x69: {  	s28 =	smov.u32 s26;
	v3 =	vmul.f32 $2.209708650e-02, v3;
	v6 =	vld [tilespmem:s26+$0x10060];
	[tilespmem:s26+$0x10070] =	vst v4;
	s26 =	sor.u32 s4, s0  }
.Ltmp2:
0x6a: {  	v4 =	vld [tilespmem:s26+$0x10070];
	[tilespmem:s28+$0x10000] =	vst v2;
	v0 =	vmul.f32 $2.209708650e-02, v0;
	(pc) =	sbr.rel @p0 .LBB2_6-.Ltmp2, $4  }
0x6b: {  	v2 =	vld [tilespmem:s26+$0x10000];
	[tilespmem:s28+$0x10010] =	vst v3;
	v1 =	vmul.f32 $2.209708650e-02, v1  }
0x6c: {  	v3 =	vld [tilespmem:s26+$0x10010];
	[tilespmem:s28+$0x10020] =	vst v0;
	v7 =	vmul.f32 $2.209708650e-02, v7  }
0x6d: {  	v0 =	vld [tilespmem:s26+$0x10020];
	[tilespmem:s28+$0x10030] =	vst v1;
	v5 =	vmul.f32 $2.209708650e-02, v5  }
0x6e: {  	s30 =	sadd.s32 $0x400, s30;
	s31 =	sadd.s32 $0x80, s31;
	v1 =	vld [tilespmem:s26+$0x10030];
	[tilespmem:s28+$0x10040] =	vst v7;
	v6 =	vmul.f32 $2.209708650e-02, v6  }
0x6f: {  	v7 =	vld [tilespmem:s26+$0x10040];
	v4 =	vmul.f32 $2.209708650e-02, v4;
	[tilespmem:s28+$0x10050] =	vst v5  }
0x70: {  	v5 =	vld [tilespmem:s26+$0x10050];
	v2 =	vmul.f32 $2.209708650e-02, v2;
	[tilespmem:s28+$0x10060] =	vst v6  }
0x71: {  	v6 =	vld [tilespmem:s26+$0x10060];
	v3 =	vmul.f32 $2.209708650e-02, v3;
	[tilespmem:s26+$0x10070] =	vst v4  }
0x72: {  	[tilespmem:s26+$0x10000] =	vst v2;
	v0 =	vmul.f32 $2.209708650e-02, v0  }
0x73: {  	[tilespmem:s26+$0x10010] =	vst v3;
	v1 =	vmul.f32 $2.209708650e-02, v1  }
0x74: {  	[tilespmem:s26+$0x10020] =	vst v0;
	v0 =	vmul.f32 $2.209708650e-02, v7  }
0x75: {  	[tilespmem:s26+$0x10030] =	vst v1;
	v1 =	vmul.f32 $2.209708650e-02, v5  }
0x76: {  	[tilespmem:s26+$0x10040] =	vst v0;
	v0 =	vmul.f32 $2.209708650e-02, v6  }
0x77: {  	[tilespmem:s26+$0x10050] =	vst v1  }
0x78: {  	s0 =	simm.s32 $0x0;
	s1 =	simm.s32 $0x0;
	[tilespmem:s26+$0x10060] =	vst v0  }
0x79: {  	[tilespmem:s20], [sflag:$0x2] =	stream.linear.gather [hbm4b:s7+s0], $0x8000, $0x38;
	[tilespmem:$0x18000] =	vst v63  }
0x7a: {  	s4 =	sand.u32 $0x4000, s0;
	s0 =	sand.u32 $0x3C00, s0;
	_ =	swait.ge [sflag:s21], $0x8000  }
0x7b: {  	s1 =	sand.u32 $0x380, s1;
	s0 =	sor.u32 s0, s4;
	[sflag:s21] =	ssyncset.done $0x0  }
0x7c: {  	s28 =	sor.u32 s1, s0;
	[sflag:s21] =	ssyncadd.s32 $0xFFFF8000  }
0x7d: {  	v0 =	vld [tilespmem:s28+$0x70]  }
0x7e: {  	v1 =	vld [tilespmem:s28+$0x0]  }
0x7f: {  	v2 =	vld [tilespmem:s28+$0x10]  }
0x80: {  	v6 =	vld [tilespmem:s28+$0x40]  }
0x81: {  	s26 =	simm.s32 $0x400;
	s4 =	simm.s32 $0x80;
	v3 =	vld [tilespmem:s28+$0x20]  }
0x82: {  	s29 =	simm.s32 $0x8;
	s1 =	sand.u32 $0x4000, s4;
	s0 =	sand.u32 $0x3C00, s26;
	v5 =	vld [tilespmem:s28+$0x30];
	v0 =	vmul.f32 $2.209708650e-02, v0  }
0x83: {  	s26 =	sand.u32 $0x380, s29;
	s0 =	sor.u32 s0, s1;
	v7 =	vld [tilespmem:s28+$0x50];
	v1 =	vmul.f32 $2.209708650e-02, v1  }
0x84: {  	s26 =	sor.u32 s26, s0;
	v9 =	vld [tilespmem:s28+$0x60];
	v8 =	vmul.f32 $2.209708650e-02, v2;
	[tilespmem:s28+$0x70] =	vst v0  }
0x85: {  	v4 =	vld [tilespmem:s26+$0x70];
	v6 =	vmul.f32 $2.209708650e-02, v6;
	[tilespmem:s28+$0x0] =	vst v1  }
0x86: {  	v2 =	vld [tilespmem:s26+$0x0];
	v0 =	vmul.f32 $2.209708650e-02, v3;
	[tilespmem:s28+$0x10] =	vst v8  }
0x87: {  	v1 =	vmul.f32 $2.209708650e-02, v5;
	v3 =	vld [tilespmem:s26+$0x10];
	[tilespmem:s28+$0x40] =	vst v6  }
0x88: {  	v5 =	vmul.f32 $2.209708650e-02, v7;
	[tilespmem:s28+$0x20] =	vst v0;
	v0 =	vld [tilespmem:s26+$0x20]  }
0x89: {  	s30 =	simm.s32 $0x800;
	s31 =	simm.s32 $0x100;
	v6 =	vmul.f32 $2.209708650e-02, v9;
	[tilespmem:s28+$0x30] =	vst v1;
	v1 =	vld [tilespmem:s26+$0x30]  }
.LBB2_8:
0x8a: {  	s29 =	sadd.s32 $0x8, s29;
	s0 =	sand.u32 $0x4000, s31;
	s1 =	sand.u32 $0x3C00, s30;
	v7 =	vld [tilespmem:s26+$0x40];
	v4 =	vmul.f32 $2.209708650e-02, v4;
	[tilespmem:s28+$0x50] =	vst v5  }
0x8b: {  	s4 =	sand.u32 $0x380, s29;
	s0 =	sor.u32 s1, s0;
	p0 =	slt.u32 s29, $0x7F8;
	v2 =	vmul.f32 $2.209708650e-02, v2;
	v5 =	vld [tilespmem:s26+$0x50];
	[tilespmem:s28+$0x60] =	vst v6  }
0x8c: {  	s28 =	smov.u32 s26;
	v3 =	vmul.f32 $2.209708650e-02, v3;
	v6 =	vld [tilespmem:s26+$0x60];
	[tilespmem:s26+$0x70] =	vst v4;
	s26 =	sor.u32 s4, s0  }
.Ltmp3:
0x8d: {  	v4 =	vld [tilespmem:s26+$0x70];
	[tilespmem:s28+$0x0] =	vst v2;
	v0 =	vmul.f32 $2.209708650e-02, v0;
	(pc) =	sbr.rel @p0 .LBB2_8-.Ltmp3, $4  }
0x8e: {  	v2 =	vld [tilespmem:s26+$0x0];
	[tilespmem:s28+$0x10] =	vst v3;
	v1 =	vmul.f32 $2.209708650e-02, v1  }
0x8f: {  	v3 =	vld [tilespmem:s26+$0x10];
	[tilespmem:s28+$0x20] =	vst v0;
	v7 =	vmul.f32 $2.209708650e-02, v7  }
0x90: {  	v0 =	vld [tilespmem:s26+$0x20];
	[tilespmem:s28+$0x30] =	vst v1;
	v5 =	vmul.f32 $2.209708650e-02, v5  }
0x91: {  	s30 =	sadd.s32 $0x400, s30;
	s31 =	sadd.s32 $0x80, s31;
	v1 =	vld [tilespmem:s26+$0x30];
	[tilespmem:s28+$0x40] =	vst v7;
	v6 =	vmul.f32 $2.209708650e-02, v6  }
0x92: {  	v7 =	vld [tilespmem:s26+$0x40];
	v4 =	vmul.f32 $2.209708650e-02, v4;
	[tilespmem:s28+$0x50] =	vst v5  }
0x93: {  	v5 =	vld [tilespmem:s26+$0x50];
	v2 =	vmul.f32 $2.209708650e-02, v2;
	[tilespmem:s28+$0x60] =	vst v6  }
0x94: {  	v6 =	vld [tilespmem:s26+$0x60];
	v3 =	vmul.f32 $2.209708650e-02, v3;
	[tilespmem:s26+$0x70] =	vst v4  }
0x95: {  	[tilespmem:s26+$0x0] =	vst v2;
	v0 =	vmul.f32 $2.209708650e-02, v0  }
0x96: {  	[tilespmem:s26+$0x10] =	vst v3;
	v1 =	vmul.f32 $2.209708650e-02, v1  }
0x97: {  	[tilespmem:s26+$0x20] =	vst v0;
	v0 =	vmul.f32 $2.209708650e-02, v7  }
0x98: {  	[tilespmem:s26+$0x30] =	vst v1;
	v1 =	vmul.f32 $2.209708650e-02, v5  }
0x99: {  	[tilespmem:s26+$0x40] =	vst v0;
	v0 =	vmul.f32 $2.209708650e-02, v6  }
0x9a: {  	[tilespmem:s26+$0x50] =	vst v1  }
0x9b: {  	s0 =	simm.s32 $0x0;
	s1 =	simm.s32 $0x0;
	[tilespmem:s26+$0x60] =	vst v0  }
0x9c: {  	[tilespmem:s22], [sflag:$0x3] =	stream.linear.gather [hbm4b:s8+s0], $0x8000, $0x38;
	[tilespmem:$0x18000] =	vst v63  }
0x9d: {  	s4 =	sand.u32 $0x4000, s0;
	s0 =	sand.u32 $0x3C00, s0;
	_ =	swait.ge [sflag:s23], $0x8000  }
0x9e: {  	s1 =	sand.u32 $0x380, s1;
	s0 =	sor.u32 s0, s4;
	[sflag:s23] =	ssyncset.done $0x0  }
0x9f: {  	s28 =	sor.u32 s1, s0;
	[sflag:s23] =	ssyncadd.s32 $0xFFFF8000  }
0xa0: {  	v0 =	vld [tilespmem:s28+$0x8070]  }
0xa1: {  	v1 =	vld [tilespmem:s28+$0x8000]  }
0xa2: {  	v2 =	vld [tilespmem:s28+$0x8010]  }
0xa3: {  	v6 =	vld [tilespmem:s28+$0x8040]  }
0xa4: {  	s26 =	simm.s32 $0x400;
	s4 =	simm.s32 $0x80;
	v3 =	vld [tilespmem:s28+$0x8020]  }
0xa5: {  	s29 =	simm.s32 $0x8;
	s1 =	sand.u32 $0x4000, s4;
	s0 =	sand.u32 $0x3C00, s26;
	v5 =	vld [tilespmem:s28+$0x8030];
	v0 =	vmul.f32 $2.209708650e-02, v0  }
0xa6: {  	s26 =	sand.u32 $0x380, s29;
	s0 =	sor.u32 s0, s1;
	v7 =	vld [tilespmem:s28+$0x8050];
	v1 =	vmul.f32 $2.209708650e-02, v1  }
0xa7: {  	s26 =	sor.u32 s26, s0;
	v9 =	vld [tilespmem:s28+$0x8060];
	v8 =	vmul.f32 $2.209708650e-02, v2;
	[tilespmem:s28+$0x8070] =	vst v0  }
0xa8: {  	v4 =	vld [tilespmem:s26+$0x8070];
	v6 =	vmul.f32 $2.209708650e-02, v6;
	[tilespmem:s28+$0x8000] =	vst v1  }
0xa9: {  	v2 =	vld [tilespmem:s26+$0x8000];
	v0 =	vmul.f32 $2.209708650e-02, v3;
	[tilespmem:s28+$0x8010] =	vst v8  }
0xaa: {  	v1 =	vmul.f32 $2.209708650e-02, v5;
	v3 =	vld [tilespmem:s26+$0x8010];
	[tilespmem:s28+$0x8040] =	vst v6  }
0xab: {  	v5 =	vmul.f32 $2.209708650e-02, v7;
	[tilespmem:s28+$0x8020] =	vst v0;
	v0 =	vld [tilespmem:s26+$0x8020]  }
0xac: {  	s30 =	simm.s32 $0x800;
	s31 =	simm.s32 $0x100;
	v6 =	vmul.f32 $2.209708650e-02, v9;
	[tilespmem:s28+$0x8030] =	vst v1;
	v1 =	vld [tilespmem:s26+$0x8030]  }
.LBB2_10:
0xad: {  	s29 =	sadd.s32 $0x8, s29;
	s0 =	sand.u32 $0x4000, s31;
	s1 =	sand.u32 $0x3C00, s30;
	v7 =	vld [tilespmem:s26+$0x8040];
	v4 =	vmul.f32 $2.209708650e-02, v4;
	[tilespmem:s28+$0x8050] =	vst v5  }
0xae: {  	s4 =	sand.u32 $0x380, s29;
	s0 =	sor.u32 s1, s0;
	p0 =	slt.u32 s29, $0x7F8;
	v2 =	vmul.f32 $2.209708650e-02, v2;
	v5 =	vld [tilespmem:s26+$0x8050];
	[tilespmem:s28+$0x8060] =	vst v6  }
0xaf: {  	s28 =	smov.u32 s26;
	v3 =	vmul.f32 $2.209708650e-02, v3;
	v6 =	vld [tilespmem:s26+$0x8060];
	[tilespmem:s26+$0x8070] =	vst v4;
	s26 =	sor.u32 s4, s0  }
.Ltmp4:
0xb0: {  	v4 =	vld [tilespmem:s26+$0x8070];
	[tilespmem:s28+$0x8000] =	vst v2;
	v0 =	vmul.f32 $2.209708650e-02, v0;
	(pc) =	sbr.rel @p0 .LBB2_10-.Ltmp4, $4  }
0xb1: {  	v2 =	vld [tilespmem:s26+$0x8000];
	[tilespmem:s28+$0x8010] =	vst v3;
	v1 =	vmul.f32 $2.209708650e-02, v1  }
0xb2: {  	v3 =	vld [tilespmem:s26+$0x8010];
	[tilespmem:s28+$0x8020] =	vst v0;
	v7 =	vmul.f32 $2.209708650e-02, v7  }
0xb3: {  	v0 =	vld [tilespmem:s26+$0x8020];
	[tilespmem:s28+$0x8030] =	vst v1;
	v5 =	vmul.f32 $2.209708650e-02, v5  }
0xb4: {  	s30 =	sadd.s32 $0x400, s30;
	s31 =	sadd.s32 $0x80, s31;
	v1 =	vld [tilespmem:s26+$0x8030];
	[tilespmem:s28+$0x8040] =	vst v7;
	v6 =	vmul.f32 $2.209708650e-02, v6  }
0xb5: {  	v7 =	vld [tilespmem:s26+$0x8040];
	v4 =	vmul.f32 $2.209708650e-02, v4;
	[tilespmem:s28+$0x8050] =	vst v5  }
0xb6: {  	v5 =	vld [tilespmem:s26+$0x8050];
	v2 =	vmul.f32 $2.209708650e-02, v2;
	[tilespmem:s28+$0x8060] =	vst v6  }
0xb7: {  	v6 =	vld [tilespmem:s26+$0x8060];
	v3 =	vmul.f32 $2.209708650e-02, v3;
	[tilespmem:s26+$0x8070] =	vst v4  }
0xb8: {  	[tilespmem:s26+$0x8000] =	vst v2;
	v0 =	vmul.f32 $2.209708650e-02, v0  }
0xb9: {  	[tilespmem:s26+$0x8010] =	vst v3;
	v1 =	vmul.f32 $2.209708650e-02, v1  }
0xba: {  	[tilespmem:s26+$0x8020] =	vst v0;
	v0 =	vmul.f32 $2.209708650e-02, v7  }
0xbb: {  	[tilespmem:s26+$0x8030] =	vst v1;
	v1 =	vmul.f32 $2.209708650e-02, v5  }
0xbc: {  	[tilespmem:s26+$0x8040] =	vst v0;
	v0 =	vmul.f32 $2.209708650e-02, v6  }
0xbd: {  	[tilespmem:s26+$0x8050] =	vst v1  }
0xbe: {  	s0 =	simm.s32 $0x0;
	s1 =	simm.s32 $0x0;
	[tilespmem:s26+$0x8060] =	vst v0  }
0xbf: {  	[tilespmem:s0], [sflag:$0x1] =	stream.linear.gather [hbm4b:s9+s0], $0x8000, $0x38;
	[tilespmem:$0x18000] =	vst v63  }
0xc0: {  	s4 =	sand.u32 $0x4000, s0;
	s0 =	sand.u32 $0x3C00, s0;
	_ =	swait.ge [sflag:s24], $0x8000  }
0xc1: {  	s1 =	sand.u32 $0x380, s1;
	s0 =	sor.u32 s0, s4;
	[sflag:s24] =	ssyncset.done $0x0  }
0xc2: {  	s28 =	sor.u32 s1, s0;
	[sflag:s24] =	ssyncadd.s32 $0xFFFF8000  }
0xc3: {  	v0 =	vld [tilespmem:s28+$0x10070]  }
0xc4: {  	v1 =	vld [tilespmem:s28+$0x10000]  }
0xc5: {  	v2 =	vld [tilespmem:s28+$0x10010]  }
0xc6: {  	v6 =	vld [tilespmem:s28+$0x10040]  }
0xc7: {  	s26 =	simm.s32 $0x400;
	s4 =	simm.s32 $0x80;
	v3 =	vld [tilespmem:s28+$0x10020]  }
0xc8: {  	s29 =	simm.s32 $0x8;
	s1 =	sand.u32 $0x4000, s4;
	s0 =	sand.u32 $0x3C00, s26;
	v5 =	vld [tilespmem:s28+$0x10030];
	v0 =	vmul.f32 $2.209708650e-02, v0  }
0xc9: {  	s26 =	sand.u32 $0x380, s29;
	s0 =	sor.u32 s0, s1;
	v7 =	vld [tilespmem:s28+$0x10050];
	v1 =	vmul.f32 $2.209708650e-02, v1  }
0xca: {  	s26 =	sor.u32 s26, s0;
	v9 =	vld [tilespmem:s28+$0x10060];
	v8 =	vmul.f32 $2.209708650e-02, v2;
	[tilespmem:s28+$0x10070] =	vst v0  }
0xcb: {  	v4 =	vld [tilespmem:s26+$0x10070];
	v6 =	vmul.f32 $2.209708650e-02, v6;
	[tilespmem:s28+$0x10000] =	vst v1  }
0xcc: {  	v2 =	vld [tilespmem:s26+$0x10000];
	v0 =	vmul.f32 $2.209708650e-02, v3;
	[tilespmem:s28+$0x10010] =	vst v8  }
0xcd: {  	v1 =	vmul.f32 $2.209708650e-02, v5;
	v3 =	vld [tilespmem:s26+$0x10010];
	[tilespmem:s28+$0x10040] =	vst v6  }
0xce: {  	v5 =	vmul.f32 $2.209708650e-02, v7;
	[tilespmem:s28+$0x10020] =	vst v0;
	v0 =	vld [tilespmem:s26+$0x10020]  }
0xcf: {  	s30 =	simm.s32 $0x800;
	s31 =	simm.s32 $0x100;
	v6 =	vmul.f32 $2.209708650e-02, v9;
	[tilespmem:s28+$0x10030] =	vst v1;
	v1 =	vld [tilespmem:s26+$0x10030]  }
.LBB2_12:
0xd0: {  	s29 =	sadd.s32 $0x8, s29;
	s0 =	sand.u32 $0x4000, s31;
	s1 =	sand.u32 $0x3C00, s30;
	v7 =	vld [tilespmem:s26+$0x10040];
	v4 =	vmul.f32 $2.209708650e-02, v4;
	[tilespmem:s28+$0x10050] =	vst v5  }
0xd1: {  	s4 =	sand.u32 $0x380, s29;
	s0 =	sor.u32 s1, s0;
	p0 =	slt.u32 s29, $0x7F8;
	v2 =	vmul.f32 $2.209708650e-02, v2;
	v5 =	vld [tilespmem:s26+$0x10050];
	[tilespmem:s28+$0x10060] =	vst v6  }
0xd2: {  	s28 =	smov.u32 s26;
	v3 =	vmul.f32 $2.209708650e-02, v3;
	v6 =	vld [tilespmem:s26+$0x10060];
	[tilespmem:s26+$0x10070] =	vst v4;
	s26 =	sor.u32 s4, s0  }
.Ltmp5:
0xd3: {  	v4 =	vld [tilespmem:s26+$0x10070];
	[tilespmem:s28+$0x10000] =	vst v2;
	v0 =	vmul.f32 $2.209708650e-02, v0;
	(pc) =	sbr.rel @p0 .LBB2_12-.Ltmp5, $4  }
0xd4: {  	v2 =	vld [tilespmem:s26+$0x10000];
	[tilespmem:s28+$0x10010] =	vst v3;
	v1 =	vmul.f32 $2.209708650e-02, v1  }
0xd5: {  	v3 =	vld [tilespmem:s26+$0x10010];
	[tilespmem:s28+$0x10020] =	vst v0;
	v7 =	vmul.f32 $2.209708650e-02, v7  }
0xd6: {  	v0 =	vld [tilespmem:s26+$0x10020];
	[tilespmem:s28+$0x10030] =	vst v1;
	v5 =	vmul.f32 $2.209708650e-02, v5  }
0xd7: {  	s30 =	sadd.s32 $0x400, s30;
	s31 =	sadd.s32 $0x80, s31;
	v1 =	vld [tilespmem:s26+$0x10030];
	[tilespmem:s28+$0x10040] =	vst v7;
	v6 =	vmul.f32 $2.209708650e-02, v6  }
0xd8: {  	v7 =	vld [tilespmem:s26+$0x10040];
	v4 =	vmul.f32 $2.209708650e-02, v4;
	[tilespmem:s28+$0x10050] =	vst v5  }
0xd9: {  	v5 =	vld [tilespmem:s26+$0x10050];
	v2 =	vmul.f32 $2.209708650e-02, v2;
	[tilespmem:s28+$0x10060] =	vst v6  }
0xda: {  	v6 =	vld [tilespmem:s26+$0x10060];
	v3 =	vmul.f32 $2.209708650e-02, v3;
	[tilespmem:s26+$0x10070] =	vst v4  }
0xdb: {  	[tilespmem:s26+$0x10000] =	vst v2;
	v0 =	vmul.f32 $2.209708650e-02, v0  }
0xdc: {  	[tilespmem:s26+$0x10010] =	vst v3;
	v1 =	vmul.f32 $2.209708650e-02, v1  }
0xdd: {  	[tilespmem:s26+$0x10020] =	vst v0;
	v0 =	vmul.f32 $2.209708650e-02, v7  }
0xde: {  	[tilespmem:s26+$0x10030] =	vst v1;
	v1 =	vmul.f32 $2.209708650e-02, v5  }
0xdf: {  	[tilespmem:s26+$0x10040] =	vst v0;
	v0 =	vmul.f32 $2.209708650e-02, v6  }
0xe0: {  	[tilespmem:s26+$0x10050] =	vst v1  }
0xe1: {  	s0 =	simm.s32 $0x0;
	s1 =	simm.s32 $0x0;
	[tilespmem:s26+$0x10060] =	vst v0  }
0xe2: {  	[tilespmem:s20], [sflag:$0x2] =	stream.linear.gather [hbm4b:s10+s0], $0x8000, $0x38;
	[tilespmem:$0x18000] =	vst v63  }
0xe3: {  	s4 =	sand.u32 $0x4000, s0;
	s0 =	sand.u32 $0x3C00, s0;
	_ =	swait.ge [sflag:s21], $0x8000  }
0xe4: {  	s1 =	sand.u32 $0x380, s1;
	s0 =	sor.u32 s0, s4;
	[sflag:s21] =	ssyncset.done $0x0  }
0xe5: {  	s28 =	sor.u32 s1, s0;
	[sflag:s21] =	ssyncadd.s32 $0xFFFF8000  }
0xe6: {  	v0 =	vld [tilespmem:s28+$0x70]  }
0xe7: {  	v1 =	vld [tilespmem:s28+$0x0]  }
0xe8: {  	v2 =	vld [tilespmem:s28+$0x10]  }
0xe9: {  	v6 =	vld [tilespmem:s28+$0x40]  }
0xea: {  	s26 =	simm.s32 $0x400;
	s4 =	simm.s32 $0x80;
	v3 =	vld [tilespmem:s28+$0x20]  }
0xeb: {  	s29 =	simm.s32 $0x8;
	s1 =	sand.u32 $0x4000, s4;
	s0 =	sand.u32 $0x3C00, s26;
	v5 =	vld [tilespmem:s28+$0x30];
	v0 =	vmul.f32 $2.209708650e-02, v0  }
0xec: {  	s26 =	sand.u32 $0x380, s29;
	s0 =	sor.u32 s0, s1;
	v7 =	vld [tilespmem:s28+$0x50];
	v1 =	vmul.f32 $2.209708650e-02, v1  }
0xed: {  	s26 =	sor.u32 s26, s0;
	v9 =	vld [tilespmem:s28+$0x60];
	v8 =	vmul.f32 $2.209708650e-02, v2;
	[tilespmem:s28+$0x70] =	vst v0  }
0xee: {  	v4 =	vld [tilespmem:s26+$0x70];
	v6 =	vmul.f32 $2.209708650e-02, v6;
	[tilespmem:s28+$0x0] =	vst v1  }
0xef: {  	v2 =	vld [tilespmem:s26+$0x0];
	v0 =	vmul.f32 $2.209708650e-02, v3;
	[tilespmem:s28+$0x10] =	vst v8  }
0xf0: {  	v1 =	vmul.f32 $2.209708650e-02, v5;
	v3 =	vld [tilespmem:s26+$0x10];
	[tilespmem:s28+$0x40] =	vst v6  }
0xf1: {  	v5 =	vmul.f32 $2.209708650e-02, v7;
	[tilespmem:s28+$0x20] =	vst v0;
	v0 =	vld [tilespmem:s26+$0x20]  }
0xf2: {  	s30 =	simm.s32 $0x800;
	s31 =	simm.s32 $0x100;
	v6 =	vmul.f32 $2.209708650e-02, v9;
	[tilespmem:s28+$0x30] =	vst v1;
	v1 =	vld [tilespmem:s26+$0x30]  }
.LBB2_14:
0xf3: {  	s29 =	sadd.s32 $0x8, s29;
	s0 =	sand.u32 $0x4000, s31;
	s1 =	sand.u32 $0x3C00, s30;
	v7 =	vld [tilespmem:s26+$0x40];
	v4 =	vmul.f32 $2.209708650e-02, v4;
	[tilespmem:s28+$0x50] =	vst v5  }
0xf4: {  	s4 =	sand.u32 $0x380, s29;
	s0 =	sor.u32 s1, s0;
	p0 =	slt.u32 s29, $0x7F8;
	v2 =	vmul.f32 $2.209708650e-02, v2;
	v5 =	vld [tilespmem:s26+$0x50];
	[tilespmem:s28+$0x60] =	vst v6  }
0xf5: {  	s28 =	smov.u32 s26;
	v3 =	vmul.f32 $2.209708650e-02, v3;
	v6 =	vld [tilespmem:s26+$0x60];
	[tilespmem:s26+$0x70] =	vst v4;
	s26 =	sor.u32 s4, s0  }
.Ltmp6:
0xf6: {  	v4 =	vld [tilespmem:s26+$0x70];
	[tilespmem:s28+$0x0] =	vst v2;
	v0 =	vmul.f32 $2.209708650e-02, v0;
	(pc) =	sbr.rel @p0 .LBB2_14-.Ltmp6, $4  }
0xf7: {  	v2 =	vld [tilespmem:s26+$0x0];
	[tilespmem:s28+$0x10] =	vst v3;
	v1 =	vmul.f32 $2.209708650e-02, v1  }
0xf8: {  	v3 =	vld [tilespmem:s26+$0x10];
	[tilespmem:s28+$0x20] =	vst v0;
	v7 =	vmul.f32 $2.209708650e-02, v7  }
0xf9: {  	v0 =	vld [tilespmem:s26+$0x20];
	[tilespmem:s28+$0x30] =	vst v1;
	v5 =	vmul.f32 $2.209708650e-02, v5  }
0xfa: {  	s30 =	sadd.s32 $0x400, s30;
	s31 =	sadd.s32 $0x80, s31;
	v1 =	vld [tilespmem:s26+$0x30];
	[tilespmem:s28+$0x40] =	vst v7;
	v6 =	vmul.f32 $2.209708650e-02, v6  }
0xfb: {  	v7 =	vld [tilespmem:s26+$0x40];
	v4 =	vmul.f32 $2.209708650e-02, v4;
	[tilespmem:s28+$0x50] =	vst v5  }
0xfc: {  	v5 =	vld [tilespmem:s26+$0x50];
	v2 =	vmul.f32 $2.209708650e-02, v2;
	[tilespmem:s28+$0x60] =	vst v6  }
0xfd: {  	v6 =	vld [tilespmem:s26+$0x60];
	v3 =	vmul.f32 $2.209708650e-02, v3;
	[tilespmem:s26+$0x70] =	vst v4  }
0xfe: {  	[tilespmem:s26+$0x0] =	vst v2;
	v0 =	vmul.f32 $2.209708650e-02, v0  }
0xff: {  	[tilespmem:s26+$0x10] =	vst v3;
	v1 =	vmul.f32 $2.209708650e-02, v1  }
0x100: {  	[tilespmem:s26+$0x20] =	vst v0;
	v0 =	vmul.f32 $2.209708650e-02, v7  }
0x101: {  	[tilespmem:s26+$0x30] =	vst v1;
	v1 =	vmul.f32 $2.209708650e-02, v5  }
0x102: {  	[tilespmem:s26+$0x40] =	vst v0;
	v0 =	vmul.f32 $2.209708650e-02, v6  }
0x103: {  	[tilespmem:s26+$0x50] =	vst v1  }
0x104: {  	s0 =	simm.s32 $0x0;
	s1 =	simm.s32 $0x0;
	[tilespmem:s26+$0x60] =	vst v0  }
0x105: {  	[tilespmem:s22], [sflag:$0x3] =	stream.linear.gather [hbm4b:s11+s0], $0x8000, $0x38;
	[tilespmem:$0x18000] =	vst v63  }
0x106: {  	s4 =	sand.u32 $0x4000, s0;
	s0 =	sand.u32 $0x3C00, s0;
	_ =	swait.ge [sflag:s23], $0x8000  }
0x107: {  	s1 =	sand.u32 $0x380, s1;
	s0 =	sor.u32 s0, s4;
	[sflag:s23] =	ssyncset.done $0x0  }
0x108: {  	s28 =	sor.u32 s1, s0;
	[sflag:s23] =	ssyncadd.s32 $0xFFFF8000  }
0x109: {  	v0 =	vld [tilespmem:s28+$0x8070]  }
0x10a: {  	v1 =	vld [tilespmem:s28+$0x8000]  }
0x10b: {  	v2 =	vld [tilespmem:s28+$0x8010]  }
0x10c: {  	v6 =	vld [tilespmem:s28+$0x8040]  }
0x10d: {  	s26 =	simm.s32 $0x400;
	s4 =	simm.s32 $0x80;
	v3 =	vld [tilespmem:s28+$0x8020]  }
0x10e: {  	s29 =	simm.s32 $0x8;
	s1 =	sand.u32 $0x4000, s4;
	s0 =	sand.u32 $0x3C00, s26;
	v5 =	vld [tilespmem:s28+$0x8030];
	v0 =	vmul.f32 $2.209708650e-02, v0  }
0x10f: {  	s26 =	sand.u32 $0x380, s29;
	s0 =	sor.u32 s0, s1;
	v7 =	vld [tilespmem:s28+$0x8050];
	v1 =	vmul.f32 $2.209708650e-02, v1  }
0x110: {  	s26 =	sor.u32 s26, s0;
	v9 =	vld [tilespmem:s28+$0x8060];
	v8 =	vmul.f32 $2.209708650e-02, v2;
	[tilespmem:s28+$0x8070] =	vst v0  }
0x111: {  	v4 =	vld [tilespmem:s26+$0x8070];
	v6 =	vmul.f32 $2.209708650e-02, v6;
	[tilespmem:s28+$0x8000] =	vst v1  }
0x112: {  	v2 =	vld [tilespmem:s26+$0x8000];
	v0 =	vmul.f32 $2.209708650e-02, v3;
	[tilespmem:s28+$0x8010] =	vst v8  }
0x113: {  	v1 =	vmul.f32 $2.209708650e-02, v5;
	v3 =	vld [tilespmem:s26+$0x8010];
	[tilespmem:s28+$0x8040] =	vst v6  }
0x114: {  	v5 =	vmul.f32 $2.209708650e-02, v7;
	[tilespmem:s28+$0x8020] =	vst v0;
	v0 =	vld [tilespmem:s26+$0x8020]  }
0x115: {  	s30 =	simm.s32 $0x800;
	s31 =	simm.s32 $0x100;
	v6 =	vmul.f32 $2.209708650e-02, v9;
	[tilespmem:s28+$0x8030] =	vst v1;
	v1 =	vld [tilespmem:s26+$0x8030]  }
.LBB2_16:
0x116: {  	s29 =	sadd.s32 $0x8, s29;
	s0 =	sand.u32 $0x4000, s31;
	s1 =	sand.u32 $0x3C00, s30;
	v7 =	vld [tilespmem:s26+$0x8040];
	v4 =	vmul.f32 $2.209708650e-02, v4;
	[tilespmem:s28+$0x8050] =	vst v5  }
0x117: {  	s4 =	sand.u32 $0x380, s29;
	s0 =	sor.u32 s1, s0;
	p0 =	slt.u32 s29, $0x7F8;
	v2 =	vmul.f32 $2.209708650e-02, v2;
	v5 =	vld [tilespmem:s26+$0x8050];
	[tilespmem:s28+$0x8060] =	vst v6  }
0x118: {  	s28 =	smov.u32 s26;
	v3 =	vmul.f32 $2.209708650e-02, v3;
	v6 =	vld [tilespmem:s26+$0x8060];
	[tilespmem:s26+$0x8070] =	vst v4;
	s26 =	sor.u32 s4, s0  }
.Ltmp7:
0x119: {  	v4 =	vld [tilespmem:s26+$0x8070];
	[tilespmem:s28+$0x8000] =	vst v2;
	v0 =	vmul.f32 $2.209708650e-02, v0;
	(pc) =	sbr.rel @p0 .LBB2_16-.Ltmp7, $4  }
0x11a: {  	v2 =	vld [tilespmem:s26+$0x8000];
	[tilespmem:s28+$0x8010] =	vst v3;
	v1 =	vmul.f32 $2.209708650e-02, v1  }
0x11b: {  	v3 =	vld [tilespmem:s26+$0x8010];
	[tilespmem:s28+$0x8020] =	vst v0;
	v7 =	vmul.f32 $2.209708650e-02, v7  }
0x11c: {  	v0 =	vld [tilespmem:s26+$0x8020];
	[tilespmem:s28+$0x8030] =	vst v1;
	v5 =	vmul.f32 $2.209708650e-02, v5  }
0x11d: {  	s30 =	sadd.s32 $0x400, s30;
	s31 =	sadd.s32 $0x80, s31;
	v1 =	vld [tilespmem:s26+$0x8030];
	[tilespmem:s28+$0x8040] =	vst v7;
	v6 =	vmul.f32 $2.209708650e-02, v6  }
0x11e: {  	v7 =	vld [tilespmem:s26+$0x8040];
	v4 =	vmul.f32 $2.209708650e-02, v4;
	[tilespmem:s28+$0x8050] =	vst v5  }
0x11f: {  	v5 =	vld [tilespmem:s26+$0x8050];
	v2 =	vmul.f32 $2.209708650e-02, v2;
	[tilespmem:s28+$0x8060] =	vst v6  }
0x120: {  	v6 =	vld [tilespmem:s26+$0x8060];
	v3 =	vmul.f32 $2.209708650e-02, v3;
	[tilespmem:s26+$0x8070] =	vst v4  }
0x121: {  	[tilespmem:s26+$0x8000] =	vst v2;
	v0 =	vmul.f32 $2.209708650e-02, v0  }
0x122: {  	[tilespmem:s26+$0x8010] =	vst v3;
	v1 =	vmul.f32 $2.209708650e-02, v1  }
0x123: {  	[tilespmem:s26+$0x8020] =	vst v0;
	v0 =	vmul.f32 $2.209708650e-02, v7  }
0x124: {  	[tilespmem:s26+$0x8030] =	vst v1;
	v1 =	vmul.f32 $2.209708650e-02, v5  }
0x125: {  	[tilespmem:s26+$0x8040] =	vst v0;
	v0 =	vmul.f32 $2.209708650e-02, v6  }
0x126: {  	[tilespmem:s26+$0x8050] =	vst v1  }
0x127: {  	s0 =	simm.s32 $0x0;
	s1 =	simm.s32 $0x0;
	[tilespmem:s26+$0x8060] =	vst v0  }
0x128: {  	[tilespmem:s0], [sflag:$0x1] =	stream.linear.gather [hbm4b:s12+s0], $0x8000, $0x38;
	[tilespmem:$0x18000] =	vst v63  }
0x129: {  	s4 =	sand.u32 $0x4000, s0;
	s0 =	sand.u32 $0x3C00, s0;
	_ =	swait.ge [sflag:s24], $0x8000  }
0x12a: {  	s1 =	sand.u32 $0x380, s1;
	s0 =	sor.u32 s0, s4;
	[sflag:s24] =	ssyncset.done $0x0  }
0x12b: {  	s28 =	sor.u32 s1, s0;
	[sflag:s24] =	ssyncadd.s32 $0xFFFF8000  }
0x12c: {  	v0 =	vld [tilespmem:s28+$0x10070]  }
0x12d: {  	v1 =	vld [tilespmem:s28+$0x10000]  }
0x12e: {  	v2 =	vld [tilespmem:s28+$0x10010]  }
0x12f: {  	v6 =	vld [tilespmem:s28+$0x10040]  }
0x130: {  	s26 =	simm.s32 $0x400;
	s4 =	simm.s32 $0x80;
	v3 =	vld [tilespmem:s28+$0x10020]  }
0x131: {  	s29 =	simm.s32 $0x8;
	s1 =	sand.u32 $0x4000, s4;
	s0 =	sand.u32 $0x3C00, s26;
	v5 =	vld [tilespmem:s28+$0x10030];
	v0 =	vmul.f32 $2.209708650e-02, v0  }
0x132: {  	s26 =	sand.u32 $0x380, s29;
	s0 =	sor.u32 s0, s1;
	v7 =	vld [tilespmem:s28+$0x10050];
	v1 =	vmul.f32 $2.209708650e-02, v1  }
0x133: {  	s26 =	sor.u32 s26, s0;
	v9 =	vld [tilespmem:s28+$0x10060];
	v8 =	vmul.f32 $2.209708650e-02, v2;
	[tilespmem:s28+$0x10070] =	vst v0  }
0x134: {  	v4 =	vld [tilespmem:s26+$0x10070];
	v6 =	vmul.f32 $2.209708650e-02, v6;
	[tilespmem:s28+$0x10000] =	vst v1  }
0x135: {  	v2 =	vld [tilespmem:s26+$0x10000];
	v0 =	vmul.f32 $2.209708650e-02, v3;
	[tilespmem:s28+$0x10010] =	vst v8  }
0x136: {  	v1 =	vmul.f32 $2.209708650e-02, v5;
	v3 =	vld [tilespmem:s26+$0x10010];
	[tilespmem:s28+$0x10040] =	vst v6  }
0x137: {  	v5 =	vmul.f32 $2.209708650e-02, v7;
	[tilespmem:s28+$0x10020] =	vst v0;
	v0 =	vld [tilespmem:s26+$0x10020]  }
0x138: {  	s30 =	simm.s32 $0x800;
	s31 =	simm.s32 $0x100;
	v6 =	vmul.f32 $2.209708650e-02, v9;
	[tilespmem:s28+$0x10030] =	vst v1;
	v1 =	vld [tilespmem:s26+$0x10030]  }
.LBB2_18:
0x139: {  	s29 =	sadd.s32 $0x8, s29;
	s0 =	sand.u32 $0x4000, s31;
	s1 =	sand.u32 $0x3C00, s30;
	v7 =	vld [tilespmem:s26+$0x10040];
	v4 =	vmul.f32 $2.209708650e-02, v4;
	[tilespmem:s28+$0x10050] =	vst v5  }
0x13a: {  	s4 =	sand.u32 $0x380, s29;
	s0 =	sor.u32 s1, s0;
	p0 =	slt.u32 s29, $0x7F8;
	v2 =	vmul.f32 $2.209708650e-02, v2;
	v5 =	vld [tilespmem:s26+$0x10050];
	[tilespmem:s28+$0x10060] =	vst v6  }
0x13b: {  	s28 =	smov.u32 s26;
	v3 =	vmul.f32 $2.209708650e-02, v3;
	v6 =	vld [tilespmem:s26+$0x10060];
	[tilespmem:s26+$0x10070] =	vst v4;
	s26 =	sor.u32 s4, s0  }
.Ltmp8:
0x13c: {  	v4 =	vld [tilespmem:s26+$0x10070];
	[tilespmem:s28+$0x10000] =	vst v2;
	v0 =	vmul.f32 $2.209708650e-02, v0;
	(pc) =	sbr.rel @p0 .LBB2_18-.Ltmp8, $4  }
0x13d: {  	v2 =	vld [tilespmem:s26+$0x10000];
	[tilespmem:s28+$0x10010] =	vst v3;
	v1 =	vmul.f32 $2.209708650e-02, v1  }
0x13e: {  	v3 =	vld [tilespmem:s26+$0x10010];
	[tilespmem:s28+$0x10020] =	vst v0;
	v7 =	vmul.f32 $2.209708650e-02, v7  }
0x13f: {  	v0 =	vld [tilespmem:s26+$0x10020];
	[tilespmem:s28+$0x10030] =	vst v1;
	v5 =	vmul.f32 $2.209708650e-02, v5  }
0x140: {  	s30 =	sadd.s32 $0x400, s30;
	s31 =	sadd.s32 $0x80, s31;
	v1 =	vld [tilespmem:s26+$0x10030];
	[tilespmem:s28+$0x10040] =	vst v7;
	v6 =	vmul.f32 $2.209708650e-02, v6  }
0x141: {  	v7 =	vld [tilespmem:s26+$0x10040];
	v4 =	vmul.f32 $2.209708650e-02, v4;
	[tilespmem:s28+$0x10050] =	vst v5  }
0x142: {  	v5 =	vld [tilespmem:s26+$0x10050];
	v2 =	vmul.f32 $2.209708650e-02, v2;
	[tilespmem:s28+$0x10060] =	vst v6  }
0x143: {  	v6 =	vld [tilespmem:s26+$0x10060];
	v3 =	vmul.f32 $2.209708650e-02, v3;
	[tilespmem:s26+$0x10070] =	vst v4  }
0x144: {  	[tilespmem:s26+$0x10000] =	vst v2;
	v0 =	vmul.f32 $2.209708650e-02, v0  }
0x145: {  	[tilespmem:s26+$0x10010] =	vst v3;
	v1 =	vmul.f32 $2.209708650e-02, v1  }
0x146: {  	[tilespmem:s26+$0x10020] =	vst v0;
	v0 =	vmul.f32 $2.209708650e-02, v7  }
0x147: {  	[tilespmem:s26+$0x10030] =	vst v1;
	v1 =	vmul.f32 $2.209708650e-02, v5  }
0x148: {  	[tilespmem:s26+$0x10040] =	vst v0;
	v0 =	vmul.f32 $2.209708650e-02, v6  }
0x149: {  	[tilespmem:s26+$0x10050] =	vst v1  }
0x14a: {  	s0 =	simm.s32 $0x0;
	s1 =	simm.s32 $0x0;
	[tilespmem:s26+$0x10060] =	vst v0  }
0x14b: {  	[tilespmem:s20], [sflag:$0x2] =	stream.linear.gather [hbm4b:s13+s0], $0x8000, $0x38;
	[tilespmem:$0x18000] =	vst v63  }
0x14c: {  	s4 =	sand.u32 $0x4000, s0;
	s0 =	sand.u32 $0x3C00, s0;
	_ =	swait.ge [sflag:s21], $0x8000  }
0x14d: {  	s1 =	sand.u32 $0x380, s1;
	s0 =	sor.u32 s0, s4;
	[sflag:s21] =	ssyncset.done $0x0  }
0x14e: {  	s28 =	sor.u32 s1, s0;
	[sflag:s21] =	ssyncadd.s32 $0xFFFF8000  }
0x14f: {  	v0 =	vld [tilespmem:s28+$0x70]  }
0x150: {  	v1 =	vld [tilespmem:s28+$0x0]  }
0x151: {  	v2 =	vld [tilespmem:s28+$0x10]  }
0x152: {  	v6 =	vld [tilespmem:s28+$0x40]  }
0x153: {  	s26 =	simm.s32 $0x400;
	s4 =	simm.s32 $0x80;
	v3 =	vld [tilespmem:s28+$0x20]  }
0x154: {  	s29 =	simm.s32 $0x8;
	s1 =	sand.u32 $0x4000, s4;
	s0 =	sand.u32 $0x3C00, s26;
	v5 =	vld [tilespmem:s28+$0x30];
	v0 =	vmul.f32 $2.209708650e-02, v0  }
0x155: {  	s26 =	sand.u32 $0x380, s29;
	s0 =	sor.u32 s0, s1;
	v7 =	vld [tilespmem:s28+$0x50];
	v1 =	vmul.f32 $2.209708650e-02, v1  }
0x156: {  	s26 =	sor.u32 s26, s0;
	v9 =	vld [tilespmem:s28+$0x60];
	v8 =	vmul.f32 $2.209708650e-02, v2;
	[tilespmem:s28+$0x70] =	vst v0  }
0x157: {  	v4 =	vld [tilespmem:s26+$0x70];
	v6 =	vmul.f32 $2.209708650e-02, v6;
	[tilespmem:s28+$0x0] =	vst v1  }
0x158: {  	v2 =	vld [tilespmem:s26+$0x0];
	v0 =	vmul.f32 $2.209708650e-02, v3;
	[tilespmem:s28+$0x10] =	vst v8  }
0x159: {  	v1 =	vmul.f32 $2.209708650e-02, v5;
	v3 =	vld [tilespmem:s26+$0x10];
	[tilespmem:s28+$0x40] =	vst v6  }
0x15a: {  	v5 =	vmul.f32 $2.209708650e-02, v7;
	[tilespmem:s28+$0x20] =	vst v0;
	v0 =	vld [tilespmem:s26+$0x20]  }
0x15b: {  	s30 =	simm.s32 $0x800;
	s31 =	simm.s32 $0x100;
	v6 =	vmul.f32 $2.209708650e-02, v9;
	[tilespmem:s28+$0x30] =	vst v1;
	v1 =	vld [tilespmem:s26+$0x30]  }
.LBB2_20:
0x15c: {  	s29 =	sadd.s32 $0x8, s29;
	s0 =	sand.u32 $0x4000, s31;
	s1 =	sand.u32 $0x3C00, s30;
	v7 =	vld [tilespmem:s26+$0x40];
	v4 =	vmul.f32 $2.209708650e-02, v4;
	[tilespmem:s28+$0x50] =	vst v5  }
0x15d: {  	s4 =	sand.u32 $0x380, s29;
	s0 =	sor.u32 s1, s0;
	p0 =	slt.u32 s29, $0x7F8;
	v2 =	vmul.f32 $2.209708650e-02, v2;
	v5 =	vld [tilespmem:s26+$0x50];
	[tilespmem:s28+$0x60] =	vst v6  }
0x15e: {  	s28 =	smov.u32 s26;
	v3 =	vmul.f32 $2.209708650e-02, v3;
	v6 =	vld [tilespmem:s26+$0x60];
	[tilespmem:s26+$0x70] =	vst v4;
	s26 =	sor.u32 s4, s0  }
.Ltmp9:
0x15f: {  	v4 =	vld [tilespmem:s26+$0x70];
	[tilespmem:s28+$0x0] =	vst v2;
	v0 =	vmul.f32 $2.209708650e-02, v0;
	(pc) =	sbr.rel @p0 .LBB2_20-.Ltmp9, $4  }
0x160: {  	v2 =	vld [tilespmem:s26+$0x0];
	[tilespmem:s28+$0x10] =	vst v3;
	v1 =	vmul.f32 $2.209708650e-02, v1  }
0x161: {  	v3 =	vld [tilespmem:s26+$0x10];
	[tilespmem:s28+$0x20] =	vst v0;
	v7 =	vmul.f32 $2.209708650e-02, v7  }
0x162: {  	v0 =	vld [tilespmem:s26+$0x20];
	[tilespmem:s28+$0x30] =	vst v1;
	v5 =	vmul.f32 $2.209708650e-02, v5  }
0x163: {  	s30 =	sadd.s32 $0x400, s30;
	s31 =	sadd.s32 $0x80, s31;
	v1 =	vld [tilespmem:s26+$0x30];
	[tilespmem:s28+$0x40] =	vst v7;
	v6 =	vmul.f32 $2.209708650e-02, v6  }
0x164: {  	v7 =	vld [tilespmem:s26+$0x40];
	v4 =	vmul.f32 $2.209708650e-02, v4;
	[tilespmem:s28+$0x50] =	vst v5  }
0x165: {  	v5 =	vld [tilespmem:s26+$0x50];
	v2 =	vmul.f32 $2.209708650e-02, v2;
	[tilespmem:s28+$0x60] =	vst v6  }
0x166: {  	v6 =	vld [tilespmem:s26+$0x60];
	v3 =	vmul.f32 $2.209708650e-02, v3;
	[tilespmem:s26+$0x70] =	vst v4  }
0x167: {  	[tilespmem:s26+$0x0] =	vst v2;
	v0 =	vmul.f32 $2.209708650e-02, v0  }
0x168: {  	[tilespmem:s26+$0x10] =	vst v3;
	v1 =	vmul.f32 $2.209708650e-02, v1  }
0x169: {  	[tilespmem:s26+$0x20] =	vst v0;
	v0 =	vmul.f32 $2.209708650e-02, v7  }
0x16a: {  	[tilespmem:s26+$0x30] =	vst v1;
	v1 =	vmul.f32 $2.209708650e-02, v5  }
0x16b: {  	[tilespmem:s26+$0x40] =	vst v0;
	v0 =	vmul.f32 $2.209708650e-02, v6  }
0x16c: {  	[tilespmem:s26+$0x50] =	vst v1  }
0x16d: {  	s0 =	simm.s32 $0x0;
	s1 =	simm.s32 $0x0;
	[tilespmem:s26+$0x60] =	vst v0  }
0x16e: {  	[tilespmem:s22], [sflag:$0x3] =	stream.linear.gather [hbm4b:s14+s0], $0x8000, $0x38;
	[tilespmem:$0x18000] =	vst v63  }
0x16f: {  	s4 =	sand.u32 $0x4000, s0;
	s0 =	sand.u32 $0x3C00, s0;
	_ =	swait.ge [sflag:s23], $0x8000  }
0x170: {  	s1 =	sand.u32 $0x380, s1;
	s0 =	sor.u32 s0, s4;
	[sflag:s23] =	ssyncset.done $0x0  }
0x171: {  	s28 =	sor.u32 s1, s0;
	[sflag:s23] =	ssyncadd.s32 $0xFFFF8000  }
0x172: {  	v0 =	vld [tilespmem:s28+$0x8070]  }
0x173: {  	v1 =	vld [tilespmem:s28+$0x8000]  }
0x174: {  	v2 =	vld [tilespmem:s28+$0x8010]  }
0x175: {  	v6 =	vld [tilespmem:s28+$0x8040]  }
0x176: {  	s26 =	simm.s32 $0x400;
	s4 =	simm.s32 $0x80;
	v3 =	vld [tilespmem:s28+$0x8020]  }
0x177: {  	s29 =	simm.s32 $0x8;
	s1 =	sand.u32 $0x4000, s4;
	s0 =	sand.u32 $0x3C00, s26;
	v5 =	vld [tilespmem:s28+$0x8030];
	v0 =	vmul.f32 $2.209708650e-02, v0  }
0x178: {  	s26 =	sand.u32 $0x380, s29;
	s0 =	sor.u32 s0, s1;
	v7 =	vld [tilespmem:s28+$0x8050];
	v1 =	vmul.f32 $2.209708650e-02, v1  }
0x179: {  	s26 =	sor.u32 s26, s0;
	v9 =	vld [tilespmem:s28+$0x8060];
	v8 =	vmul.f32 $2.209708650e-02, v2;
	[tilespmem:s28+$0x8070] =	vst v0  }
0x17a: {  	v4 =	vld [tilespmem:s26+$0x8070];
	v6 =	vmul.f32 $2.209708650e-02, v6;
	[tilespmem:s28+$0x8000] =	vst v1  }
0x17b: {  	v2 =	vld [tilespmem:s26+$0x8000];
	v0 =	vmul.f32 $2.209708650e-02, v3;
	[tilespmem:s28+$0x8010] =	vst v8  }
0x17c: {  	v1 =	vmul.f32 $2.209708650e-02, v5;
	v3 =	vld [tilespmem:s26+$0x8010];
	[tilespmem:s28+$0x8040] =	vst v6  }
0x17d: {  	v5 =	vmul.f32 $2.209708650e-02, v7;
	[tilespmem:s28+$0x8020] =	vst v0;
	v0 =	vld [tilespmem:s26+$0x8020]  }
0x17e: {  	s30 =	simm.s32 $0x800;
	s31 =	simm.s32 $0x100;
	v6 =	vmul.f32 $2.209708650e-02, v9;
	[tilespmem:s28+$0x8030] =	vst v1;
	v1 =	vld [tilespmem:s26+$0x8030]  }
.LBB2_22:
0x17f: {  	s29 =	sadd.s32 $0x8, s29;
	s0 =	sand.u32 $0x4000, s31;
	s1 =	sand.u32 $0x3C00, s30;
	v7 =	vld [tilespmem:s26+$0x8040];
	v4 =	vmul.f32 $2.209708650e-02, v4;
	[tilespmem:s28+$0x8050] =	vst v5  }
0x180: {  	s4 =	sand.u32 $0x380, s29;
	s0 =	sor.u32 s1, s0;
	p0 =	slt.u32 s29, $0x7F8;
	v2 =	vmul.f32 $2.209708650e-02, v2;
	v5 =	vld [tilespmem:s26+$0x8050];
	[tilespmem:s28+$0x8060] =	vst v6  }
0x181: {  	s28 =	smov.u32 s26;
	v3 =	vmul.f32 $2.209708650e-02, v3;
	v6 =	vld [tilespmem:s26+$0x8060];
	[tilespmem:s26+$0x8070] =	vst v4;
	s26 =	sor.u32 s4, s0  }
.Ltmp10:
0x182: {  	v4 =	vld [tilespmem:s26+$0x8070];
	[tilespmem:s28+$0x8000] =	vst v2;
	v0 =	vmul.f32 $2.209708650e-02, v0;
	(pc) =	sbr.rel @p0 .LBB2_22-.Ltmp10, $4  }
0x183: {  	v2 =	vld [tilespmem:s26+$0x8000];
	[tilespmem:s28+$0x8010] =	vst v3;
	v1 =	vmul.f32 $2.209708650e-02, v1  }
0x184: {  	v3 =	vld [tilespmem:s26+$0x8010];
	[tilespmem:s28+$0x8020] =	vst v0;
	v7 =	vmul.f32 $2.209708650e-02, v7  }
0x185: {  	v0 =	vld [tilespmem:s26+$0x8020];
	[tilespmem:s28+$0x8030] =	vst v1;
	v5 =	vmul.f32 $2.209708650e-02, v5  }
0x186: {  	s30 =	sadd.s32 $0x400, s30;
	s31 =	sadd.s32 $0x80, s31;
	v1 =	vld [tilespmem:s26+$0x8030];
	[tilespmem:s28+$0x8040] =	vst v7;
	v6 =	vmul.f32 $2.209708650e-02, v6  }
0x187: {  	v7 =	vld [tilespmem:s26+$0x8040];
	v4 =	vmul.f32 $2.209708650e-02, v4;
	[tilespmem:s28+$0x8050] =	vst v5  }
0x188: {  	v5 =	vld [tilespmem:s26+$0x8050];
	v2 =	vmul.f32 $2.209708650e-02, v2;
	[tilespmem:s28+$0x8060] =	vst v6  }
0x189: {  	v6 =	vld [tilespmem:s26+$0x8060];
	v3 =	vmul.f32 $2.209708650e-02, v3;
	[tilespmem:s26+$0x8070] =	vst v4  }
0x18a: {  	[tilespmem:s26+$0x8000] =	vst v2;
	v0 =	vmul.f32 $2.209708650e-02, v0  }
0x18b: {  	[tilespmem:s26+$0x8010] =	vst v3;
	v1 =	vmul.f32 $2.209708650e-02, v1  }
0x18c: {  	[tilespmem:s26+$0x8020] =	vst v0;
	v0 =	vmul.f32 $2.209708650e-02, v7  }
0x18d: {  	[tilespmem:s26+$0x8030] =	vst v1;
	v1 =	vmul.f32 $2.209708650e-02, v5  }
0x18e: {  	[tilespmem:s26+$0x8040] =	vst v0;
	v0 =	vmul.f32 $2.209708650e-02, v6  }
0x18f: {  	[tilespmem:s26+$0x8050] =	vst v1  }
0x190: {  	s0 =	simm.s32 $0x0;
	s1 =	simm.s32 $0x0;
	[tilespmem:s26+$0x8060] =	vst v0  }
0x191: {  	[tilespmem:s0], [sflag:$0x1] =	stream.linear.gather [hbm4b:s15+s0], $0x8000, $0x38;
	[tilespmem:$0x18000] =	vst v63  }
0x192: {  	s4 =	sand.u32 $0x4000, s0;
	s0 =	sand.u32 $0x3C00, s0;
	_ =	swait.ge [sflag:s24], $0x8000  }
0x193: {  	s1 =	sand.u32 $0x380, s1;
	s0 =	sor.u32 s0, s4;
	[sflag:s24] =	ssyncset.done $0x0  }
0x194: {  	s28 =	sor.u32 s1, s0;
	[sflag:s24] =	ssyncadd.s32 $0xFFFF8000  }
0x195: {  	v0 =	vld [tilespmem:s28+$0x10070]  }
0x196: {  	v1 =	vld [tilespmem:s28+$0x10000]  }
0x197: {  	v2 =	vld [tilespmem:s28+$0x10010]  }
0x198: {  	v6 =	vld [tilespmem:s28+$0x10040]  }
0x199: {  	s26 =	simm.s32 $0x400;
	s4 =	simm.s32 $0x80;
	v3 =	vld [tilespmem:s28+$0x10020]  }
0x19a: {  	s29 =	simm.s32 $0x8;
	s1 =	sand.u32 $0x4000, s4;
	s0 =	sand.u32 $0x3C00, s26;
	v5 =	vld [tilespmem:s28+$0x10030];
	v0 =	vmul.f32 $2.209708650e-02, v0  }
0x19b: {  	s26 =	sand.u32 $0x380, s29;
	s0 =	sor.u32 s0, s1;
	v7 =	vld [tilespmem:s28+$0x10050];
	v1 =	vmul.f32 $2.209708650e-02, v1  }
0x19c: {  	s26 =	sor.u32 s26, s0;
	v9 =	vld [tilespmem:s28+$0x10060];
	v8 =	vmul.f32 $2.209708650e-02, v2;
	[tilespmem:s28+$0x10070] =	vst v0  }
0x19d: {  	v4 =	vld [tilespmem:s26+$0x10070];
	v6 =	vmul.f32 $2.209708650e-02, v6;
	[tilespmem:s28+$0x10000] =	vst v1  }
0x19e: {  	v2 =	vld [tilespmem:s26+$0x10000];
	v0 =	vmul.f32 $2.209708650e-02, v3;
	[tilespmem:s28+$0x10010] =	vst v8  }
0x19f: {  	v1 =	vmul.f32 $2.209708650e-02, v5;
	v3 =	vld [tilespmem:s26+$0x10010];
	[tilespmem:s28+$0x10040] =	vst v6  }
0x1a0: {  	v5 =	vmul.f32 $2.209708650e-02, v7;
	[tilespmem:s28+$0x10020] =	vst v0;
	v0 =	vld [tilespmem:s26+$0x10020]  }
0x1a1: {  	s30 =	simm.s32 $0x800;
	s31 =	simm.s32 $0x100;
	v6 =	vmul.f32 $2.209708650e-02, v9;
	[tilespmem:s28+$0x10030] =	vst v1;
	v1 =	vld [tilespmem:s26+$0x10030]  }
.LBB2_24:
0x1a2: {  	s29 =	sadd.s32 $0x8, s29;
	s0 =	sand.u32 $0x4000, s31;
	s1 =	sand.u32 $0x3C00, s30;
	v7 =	vld [tilespmem:s26+$0x10040];
	v4 =	vmul.f32 $2.209708650e-02, v4;
	[tilespmem:s28+$0x10050] =	vst v5  }
0x1a3: {  	s4 =	sand.u32 $0x380, s29;
	s0 =	sor.u32 s1, s0;
	p0 =	slt.u32 s29, $0x7F8;
	v2 =	vmul.f32 $2.209708650e-02, v2;
	v5 =	vld [tilespmem:s26+$0x10050];
	[tilespmem:s28+$0x10060] =	vst v6  }
0x1a4: {  	s28 =	smov.u32 s26;
	v3 =	vmul.f32 $2.209708650e-02, v3;
	v6 =	vld [tilespmem:s26+$0x10060];
	[tilespmem:s26+$0x10070] =	vst v4;
	s26 =	sor.u32 s4, s0  }
.Ltmp11:
0x1a5: {  	v4 =	vld [tilespmem:s26+$0x10070];
	[tilespmem:s28+$0x10000] =	vst v2;
	v0 =	vmul.f32 $2.209708650e-02, v0;
	(pc) =	sbr.rel @p0 .LBB2_24-.Ltmp11, $4  }
0x1a6: {  	v2 =	vld [tilespmem:s26+$0x10000];
	[tilespmem:s28+$0x10010] =	vst v3;
	v1 =	vmul.f32 $2.209708650e-02, v1  }
0x1a7: {  	v3 =	vld [tilespmem:s26+$0x10010];
	[tilespmem:s28+$0x10020] =	vst v0;
	v7 =	vmul.f32 $2.209708650e-02, v7  }
0x1a8: {  	v0 =	vld [tilespmem:s26+$0x10020];
	[tilespmem:s28+$0x10030] =	vst v1;
	v5 =	vmul.f32 $2.209708650e-02, v5  }
0x1a9: {  	s30 =	sadd.s32 $0x400, s30;
	s31 =	sadd.s32 $0x80, s31;
	v1 =	vld [tilespmem:s26+$0x10030];
	[tilespmem:s28+$0x10040] =	vst v7;
	v6 =	vmul.f32 $2.209708650e-02, v6  }
0x1aa: {  	v7 =	vld [tilespmem:s26+$0x10040];
	v4 =	vmul.f32 $2.209708650e-02, v4;
	[tilespmem:s28+$0x10050] =	vst v5  }
0x1ab: {  	v5 =	vld [tilespmem:s26+$0x10050];
	v2 =	vmul.f32 $2.209708650e-02, v2;
	[tilespmem:s28+$0x10060] =	vst v6  }
0x1ac: {  	v6 =	vld [tilespmem:s26+$0x10060];
	v3 =	vmul.f32 $2.209708650e-02, v3;
	[tilespmem:s26+$0x10070] =	vst v4  }
0x1ad: {  	[tilespmem:s26+$0x10000] =	vst v2;
	v0 =	vmul.f32 $2.209708650e-02, v0  }
0x1ae: {  	[tilespmem:s26+$0x10010] =	vst v3;
	v1 =	vmul.f32 $2.209708650e-02, v1  }
0x1af: {  	[tilespmem:s26+$0x10020] =	vst v0;
	v0 =	vmul.f32 $2.209708650e-02, v7  }
0x1b0: {  	[tilespmem:s26+$0x10030] =	vst v1;
	v1 =	vmul.f32 $2.209708650e-02, v5  }
0x1b1: {  	[tilespmem:s26+$0x10040] =	vst v0;
	v0 =	vmul.f32 $2.209708650e-02, v6  }
0x1b2: {  	[tilespmem:s26+$0x10050] =	vst v1  }
0x1b3: {  	s0 =	simm.s32 $0x0;
	s1 =	simm.s32 $0x0;
	[tilespmem:s26+$0x10060] =	vst v0  }
0x1b4: {  	[tilespmem:s20], [sflag:$0x2] =	stream.linear.gather [hbm4b:s16+s0], $0x8000, $0x38;
	[tilespmem:$0x18000] =	vst v63  }
0x1b5: {  	s4 =	sand.u32 $0x4000, s0;
	s0 =	sand.u32 $0x3C00, s0;
	_ =	swait.ge [sflag:s21], $0x8000  }
0x1b6: {  	s1 =	sand.u32 $0x380, s1;
	s0 =	sor.u32 s0, s4;
	[sflag:s21] =	ssyncset.done $0x0  }
0x1b7: {  	s28 =	sor.u32 s1, s0;
	[sflag:s21] =	ssyncadd.s32 $0xFFFF8000  }
0x1b8: {  	v0 =	vld [tilespmem:s28+$0x70]  }
0x1b9: {  	v1 =	vld [tilespmem:s28+$0x0]  }
0x1ba: {  	v2 =	vld [tilespmem:s28+$0x10]  }
0x1bb: {  	v6 =	vld [tilespmem:s28+$0x40]  }
0x1bc: {  	s26 =	simm.s32 $0x400;
	s4 =	simm.s32 $0x80;
	v3 =	vld [tilespmem:s28+$0x20]  }
0x1bd: {  	s29 =	simm.s32 $0x8;
	s1 =	sand.u32 $0x4000, s4;
	s0 =	sand.u32 $0x3C00, s26;
	v5 =	vld [tilespmem:s28+$0x30];
	v0 =	vmul.f32 $2.209708650e-02, v0  }
0x1be: {  	s26 =	sand.u32 $0x380, s29;
	s0 =	sor.u32 s0, s1;
	v7 =	vld [tilespmem:s28+$0x50];
	v1 =	vmul.f32 $2.209708650e-02, v1  }
0x1bf: {  	s26 =	sor.u32 s26, s0;
	v9 =	vld [tilespmem:s28+$0x60];
	v8 =	vmul.f32 $2.209708650e-02, v2;
	[tilespmem:s28+$0x70] =	vst v0  }
0x1c0: {  	v4 =	vld [tilespmem:s26+$0x70];
	v6 =	vmul.f32 $2.209708650e-02, v6;
	[tilespmem:s28+$0x0] =	vst v1  }
0x1c1: {  	v2 =	vld [tilespmem:s26+$0x0];
	v0 =	vmul.f32 $2.209708650e-02, v3;
	[tilespmem:s28+$0x10] =	vst v8  }
0x1c2: {  	v1 =	vmul.f32 $2.209708650e-02, v5;
	v3 =	vld [tilespmem:s26+$0x10];
	[tilespmem:s28+$0x40] =	vst v6  }
0x1c3: {  	v5 =	vmul.f32 $2.209708650e-02, v7;
	[tilespmem:s28+$0x20] =	vst v0;
	v0 =	vld [tilespmem:s26+$0x20]  }
0x1c4: {  	s30 =	simm.s32 $0x800;
	s31 =	simm.s32 $0x100;
	v6 =	vmul.f32 $2.209708650e-02, v9;
	[tilespmem:s28+$0x30] =	vst v1;
	v1 =	vld [tilespmem:s26+$0x30]  }
.LBB2_26:
0x1c5: {  	s29 =	sadd.s32 $0x8, s29;
	s0 =	sand.u32 $0x4000, s31;
	s1 =	sand.u32 $0x3C00, s30;
	v7 =	vld [tilespmem:s26+$0x40];
	v4 =	vmul.f32 $2.209708650e-02, v4;
	[tilespmem:s28+$0x50] =	vst v5  }
0x1c6: {  	s4 =	sand.u32 $0x380, s29;
	s0 =	sor.u32 s1, s0;
	p0 =	slt.u32 s29, $0x7F8;
	v2 =	vmul.f32 $2.209708650e-02, v2;
	v5 =	vld [tilespmem:s26+$0x50];
	[tilespmem:s28+$0x60] =	vst v6  }
0x1c7: {  	s28 =	smov.u32 s26;
	v3 =	vmul.f32 $2.209708650e-02, v3;
	v6 =	vld [tilespmem:s26+$0x60];
	[tilespmem:s26+$0x70] =	vst v4;
	s26 =	sor.u32 s4, s0  }
.Ltmp12:
0x1c8: {  	v4 =	vld [tilespmem:s26+$0x70];
	[tilespmem:s28+$0x0] =	vst v2;
	v0 =	vmul.f32 $2.209708650e-02, v0;
	(pc) =	sbr.rel @p0 .LBB2_26-.Ltmp12, $4  }
0x1c9: {  	v2 =	vld [tilespmem:s26+$0x0];
	[tilespmem:s28+$0x10] =	vst v3;
	v1 =	vmul.f32 $2.209708650e-02, v1  }
0x1ca: {  	v3 =	vld [tilespmem:s26+$0x10];
	[tilespmem:s28+$0x20] =	vst v0;
	v7 =	vmul.f32 $2.209708650e-02, v7  }
0x1cb: {  	v0 =	vld [tilespmem:s26+$0x20];
	[tilespmem:s28+$0x30] =	vst v1;
	v5 =	vmul.f32 $2.209708650e-02, v5  }
0x1cc: {  	s30 =	sadd.s32 $0x400, s30;
	s31 =	sadd.s32 $0x80, s31;
	v1 =	vld [tilespmem:s26+$0x30];
	[tilespmem:s28+$0x40] =	vst v7;
	v6 =	vmul.f32 $2.209708650e-02, v6  }
0x1cd: {  	v7 =	vld [tilespmem:s26+$0x40];
	v4 =	vmul.f32 $2.209708650e-02, v4;
	[tilespmem:s28+$0x50] =	vst v5  }
0x1ce: {  	v5 =	vld [tilespmem:s26+$0x50];
	v2 =	vmul.f32 $2.209708650e-02, v2;
	[tilespmem:s28+$0x60] =	vst v6  }
0x1cf: {  	v6 =	vld [tilespmem:s26+$0x60];
	v3 =	vmul.f32 $2.209708650e-02, v3;
	[tilespmem:s26+$0x70] =	vst v4  }
0x1d0: {  	[tilespmem:s26+$0x0] =	vst v2;
	v0 =	vmul.f32 $2.209708650e-02, v0  }
0x1d1: {  	[tilespmem:s26+$0x10] =	vst v3;
	v1 =	vmul.f32 $2.209708650e-02, v1  }
0x1d2: {  	[tilespmem:s26+$0x20] =	vst v0;
	v0 =	vmul.f32 $2.209708650e-02, v7  }
0x1d3: {  	[tilespmem:s26+$0x30] =	vst v1;
	v1 =	vmul.f32 $2.209708650e-02, v5  }
0x1d4: {  	[tilespmem:s26+$0x40] =	vst v0;
	v0 =	vmul.f32 $2.209708650e-02, v6  }
0x1d5: {  	[tilespmem:s26+$0x50] =	vst v1  }
0x1d6: {  	s0 =	simm.s32 $0x0;
	s1 =	simm.s32 $0x0;
	[tilespmem:s26+$0x60] =	vst v0  }
0x1d7: {  	[tilespmem:s22], [sflag:$0x3] =	stream.linear.gather [hbm4b:s17+s0], $0x8000, $0x38;
	[tilespmem:$0x18000] =	vst v63  }
0x1d8: {  	s4 =	sand.u32 $0x4000, s0;
	s0 =	sand.u32 $0x3C00, s0;
	_ =	swait.ge [sflag:s23], $0x8000  }
0x1d9: {  	s1 =	sand.u32 $0x380, s1;
	s0 =	sor.u32 s0, s4;
	[sflag:s23] =	ssyncset.done $0x0  }
0x1da: {  	s28 =	sor.u32 s1, s0;
	[sflag:s23] =	ssyncadd.s32 $0xFFFF8000  }
0x1db: {  	v0 =	vld [tilespmem:s28+$0x8070]  }
0x1dc: {  	v1 =	vld [tilespmem:s28+$0x8000]  }
0x1dd: {  	v2 =	vld [tilespmem:s28+$0x8010]  }
0x1de: {  	v6 =	vld [tilespmem:s28+$0x8040]  }
0x1df: {  	s26 =	simm.s32 $0x400;
	s4 =	simm.s32 $0x80;
	v3 =	vld [tilespmem:s28+$0x8020]  }
0x1e0: {  	s29 =	simm.s32 $0x8;
	s1 =	sand.u32 $0x4000, s4;
	s0 =	sand.u32 $0x3C00, s26;
	v5 =	vld [tilespmem:s28+$0x8030];
	v0 =	vmul.f32 $2.209708650e-02, v0  }
0x1e1: {  	s26 =	sand.u32 $0x380, s29;
	s0 =	sor.u32 s0, s1;
	v7 =	vld [tilespmem:s28+$0x8050];
	v1 =	vmul.f32 $2.209708650e-02, v1  }
0x1e2: {  	s26 =	sor.u32 s26, s0;
	v9 =	vld [tilespmem:s28+$0x8060];
	v8 =	vmul.f32 $2.209708650e-02, v2;
	[tilespmem:s28+$0x8070] =	vst v0  }
0x1e3: {  	v4 =	vld [tilespmem:s26+$0x8070];
	v6 =	vmul.f32 $2.209708650e-02, v6;
	[tilespmem:s28+$0x8000] =	vst v1  }
0x1e4: {  	v2 =	vld [tilespmem:s26+$0x8000];
	v0 =	vmul.f32 $2.209708650e-02, v3;
	[tilespmem:s28+$0x8010] =	vst v8  }
0x1e5: {  	v1 =	vmul.f32 $2.209708650e-02, v5;
	v3 =	vld [tilespmem:s26+$0x8010];
	[tilespmem:s28+$0x8040] =	vst v6  }
0x1e6: {  	v5 =	vmul.f32 $2.209708650e-02, v7;
	[tilespmem:s28+$0x8020] =	vst v0;
	v0 =	vld [tilespmem:s26+$0x8020]  }
0x1e7: {  	s30 =	simm.s32 $0x800;
	s31 =	simm.s32 $0x100;
	v6 =	vmul.f32 $2.209708650e-02, v9;
	[tilespmem:s28+$0x8030] =	vst v1;
	v1 =	vld [tilespmem:s26+$0x8030]  }
.LBB2_28:
0x1e8: {  	s29 =	sadd.s32 $0x8, s29;
	s0 =	sand.u32 $0x4000, s31;
	s1 =	sand.u32 $0x3C00, s30;
	v7 =	vld [tilespmem:s26+$0x8040];
	v4 =	vmul.f32 $2.209708650e-02, v4;
	[tilespmem:s28+$0x8050] =	vst v5  }
0x1e9: {  	s4 =	sand.u32 $0x380, s29;
	s0 =	sor.u32 s1, s0;
	p0 =	slt.u32 s29, $0x7F8;
	v2 =	vmul.f32 $2.209708650e-02, v2;
	v5 =	vld [tilespmem:s26+$0x8050];
	[tilespmem:s28+$0x8060] =	vst v6  }
0x1ea: {  	s28 =	smov.u32 s26;
	v3 =	vmul.f32 $2.209708650e-02, v3;
	v6 =	vld [tilespmem:s26+$0x8060];
	[tilespmem:s26+$0x8070] =	vst v4;
	s26 =	sor.u32 s4, s0  }
.Ltmp13:
0x1eb: {  	v4 =	vld [tilespmem:s26+$0x8070];
	[tilespmem:s28+$0x8000] =	vst v2;
	v0 =	vmul.f32 $2.209708650e-02, v0;
	(pc) =	sbr.rel @p0 .LBB2_28-.Ltmp13, $4  }
0x1ec: {  	v2 =	vld [tilespmem:s26+$0x8000];
	[tilespmem:s28+$0x8010] =	vst v3;
	v1 =	vmul.f32 $2.209708650e-02, v1  }
0x1ed: {  	v3 =	vld [tilespmem:s26+$0x8010];
	[tilespmem:s28+$0x8020] =	vst v0;
	v7 =	vmul.f32 $2.209708650e-02, v7  }
0x1ee: {  	v0 =	vld [tilespmem:s26+$0x8020];
	[tilespmem:s28+$0x8030] =	vst v1;
	v5 =	vmul.f32 $2.209708650e-02, v5  }
0x1ef: {  	s30 =	sadd.s32 $0x400, s30;
	s31 =	sadd.s32 $0x80, s31;
	v1 =	vld [tilespmem:s26+$0x8030];
	[tilespmem:s28+$0x8040] =	vst v7;
	v6 =	vmul.f32 $2.209708650e-02, v6  }
0x1f0: {  	v7 =	vld [tilespmem:s26+$0x8040];
	v4 =	vmul.f32 $2.209708650e-02, v4;
	[tilespmem:s28+$0x8050] =	vst v5  }
0x1f1: {  	v5 =	vld [tilespmem:s26+$0x8050];
	v2 =	vmul.f32 $2.209708650e-02, v2;
	[tilespmem:s28+$0x8060] =	vst v6  }
0x1f2: {  	v6 =	vld [tilespmem:s26+$0x8060];
	v3 =	vmul.f32 $2.209708650e-02, v3;
	[tilespmem:s26+$0x8070] =	vst v4  }
0x1f3: {  	[tilespmem:s26+$0x8000] =	vst v2;
	v0 =	vmul.f32 $2.209708650e-02, v0  }
0x1f4: {  	[tilespmem:s26+$0x8010] =	vst v3;
	v1 =	vmul.f32 $2.209708650e-02, v1  }
0x1f5: {  	[tilespmem:s26+$0x8020] =	vst v0;
	v0 =	vmul.f32 $2.209708650e-02, v7  }
0x1f6: {  	[tilespmem:s26+$0x8030] =	vst v1;
	v1 =	vmul.f32 $2.209708650e-02, v5  }
0x1f7: {  	[tilespmem:s26+$0x8040] =	vst v0;
	v0 =	vmul.f32 $2.209708650e-02, v6  }
0x1f8: {  	[tilespmem:s26+$0x8050] =	vst v1  }
0x1f9: {  	s0 =	simm.s32 $0x0;
	s1 =	simm.s32 $0x0;
	[tilespmem:s26+$0x8060] =	vst v0  }
0x1fa: {  	[tilespmem:s0], [sflag:$0x1] =	stream.linear.gather [hbm4b:s18+s0], $0x8000, $0x38;
	[tilespmem:$0x18000] =	vst v63  }
0x1fb: {  	s4 =	sand.u32 $0x4000, s0;
	s0 =	sand.u32 $0x3C00, s0;
	_ =	swait.ge [sflag:s24], $0x8000  }
0x1fc: {  	s1 =	sand.u32 $0x380, s1;
	s0 =	sor.u32 s0, s4;
	[sflag:s24] =	ssyncset.done $0x0  }
0x1fd: {  	s28 =	sor.u32 s1, s0;
	[sflag:s24] =	ssyncadd.s32 $0xFFFF8000  }
0x1fe: {  	v0 =	vld [tilespmem:s28+$0x10070]  }
0x1ff: {  	v1 =	vld [tilespmem:s28+$0x10000]  }
0x200: {  	v2 =	vld [tilespmem:s28+$0x10010]  }
0x201: {  	v6 =	vld [tilespmem:s28+$0x10040]  }
0x202: {  	s26 =	simm.s32 $0x400;
	s4 =	simm.s32 $0x80;
	v3 =	vld [tilespmem:s28+$0x10020]  }
0x203: {  	s29 =	simm.s32 $0x8;
	s1 =	sand.u32 $0x4000, s4;
	s0 =	sand.u32 $0x3C00, s26;
	v5 =	vld [tilespmem:s28+$0x10030];
	v0 =	vmul.f32 $2.209708650e-02, v0  }
0x204: {  	s26 =	sand.u32 $0x380, s29;
	s0 =	sor.u32 s0, s1;
	v7 =	vld [tilespmem:s28+$0x10050];
	v1 =	vmul.f32 $2.209708650e-02, v1  }
0x205: {  	s26 =	sor.u32 s26, s0;
	v9 =	vld [tilespmem:s28+$0x10060];
	v8 =	vmul.f32 $2.209708650e-02, v2;
	[tilespmem:s28+$0x10070] =	vst v0  }
0x206: {  	v4 =	vld [tilespmem:s26+$0x10070];
	v6 =	vmul.f32 $2.209708650e-02, v6;
	[tilespmem:s28+$0x10000] =	vst v1  }
0x207: {  	v2 =	vld [tilespmem:s26+$0x10000];
	v0 =	vmul.f32 $2.209708650e-02, v3;
	[tilespmem:s28+$0x10010] =	vst v8  }
0x208: {  	v1 =	vmul.f32 $2.209708650e-02, v5;
	v3 =	vld [tilespmem:s26+$0x10010];
	[tilespmem:s28+$0x10040] =	vst v6  }
0x209: {  	v5 =	vmul.f32 $2.209708650e-02, v7;
	[tilespmem:s28+$0x10020] =	vst v0;
	v0 =	vld [tilespmem:s26+$0x10020]  }
0x20a: {  	s30 =	simm.s32 $0x800;
	s31 =	simm.s32 $0x100;
	v6 =	vmul.f32 $2.209708650e-02, v9;
	[tilespmem:s28+$0x10030] =	vst v1;
	v1 =	vld [tilespmem:s26+$0x10030]  }
.LBB2_30:
0x20b: {  	s29 =	sadd.s32 $0x8, s29;
	s0 =	sand.u32 $0x4000, s31;
	s1 =	sand.u32 $0x3C00, s30;
	v7 =	vld [tilespmem:s26+$0x10040];
	v4 =	vmul.f32 $2.209708650e-02, v4;
	[tilespmem:s28+$0x10050] =	vst v5  }
0x20c: {  	s4 =	sand.u32 $0x380, s29;
	s0 =	sor.u32 s1, s0;
	p0 =	slt.u32 s29, $0x7F8;
	v2 =	vmul.f32 $2.209708650e-02, v2;
	v5 =	vld [tilespmem:s26+$0x10050];
	[tilespmem:s28+$0x10060] =	vst v6  }
0x20d: {  	s28 =	smov.u32 s26;
	v3 =	vmul.f32 $2.209708650e-02, v3;
	v6 =	vld [tilespmem:s26+$0x10060];
	[tilespmem:s26+$0x10070] =	vst v4;
	s26 =	sor.u32 s4, s0  }
.Ltmp14:
0x20e: {  	v4 =	vld [tilespmem:s26+$0x10070];
	[tilespmem:s28+$0x10000] =	vst v2;
	v0 =	vmul.f32 $2.209708650e-02, v0;
	(pc) =	sbr.rel @p0 .LBB2_30-.Ltmp14, $4  }
0x20f: {  	v2 =	vld [tilespmem:s26+$0x10000];
	[tilespmem:s28+$0x10010] =	vst v3;
	v1 =	vmul.f32 $2.209708650e-02, v1  }
0x210: {  	v3 =	vld [tilespmem:s26+$0x10010];
	[tilespmem:s28+$0x10020] =	vst v0;
	v7 =	vmul.f32 $2.209708650e-02, v7  }
0x211: {  	v0 =	vld [tilespmem:s26+$0x10020];
	[tilespmem:s28+$0x10030] =	vst v1;
	v5 =	vmul.f32 $2.209708650e-02, v5  }
0x212: {  	s30 =	sadd.s32 $0x400, s30;
	s31 =	sadd.s32 $0x80, s31;
	v1 =	vld [tilespmem:s26+$0x10030];
	[tilespmem:s28+$0x10040] =	vst v7;
	v6 =	vmul.f32 $2.209708650e-02, v6  }
0x213: {  	v7 =	vld [tilespmem:s26+$0x10040];
	v4 =	vmul.f32 $2.209708650e-02, v4;
	[tilespmem:s28+$0x10050] =	vst v5  }
0x214: {  	v5 =	vld [tilespmem:s26+$0x10050];
	v2 =	vmul.f32 $2.209708650e-02, v2;
	[tilespmem:s28+$0x10060] =	vst v6  }
0x215: {  	v6 =	vld [tilespmem:s26+$0x10060];
	v3 =	vmul.f32 $2.209708650e-02, v3;
	[tilespmem:s26+$0x10070] =	vst v4  }
0x216: {  	[tilespmem:s26+$0x10000] =	vst v2;
	v0 =	vmul.f32 $2.209708650e-02, v0  }
0x217: {  	[tilespmem:s26+$0x10010] =	vst v3;
	v1 =	vmul.f32 $2.209708650e-02, v1  }
0x218: {  	[tilespmem:s26+$0x10020] =	vst v0;
	v0 =	vmul.f32 $2.209708650e-02, v7  }
0x219: {  	[tilespmem:s26+$0x10030] =	vst v1;
	v1 =	vmul.f32 $2.209708650e-02, v5  }
0x21a: {  	[tilespmem:s26+$0x10040] =	vst v0;
	v0 =	vmul.f32 $2.209708650e-02, v6  }
0x21b: {  	[tilespmem:s26+$0x10050] =	vst v1  }
0x21c: {  	s0 =	simm.s32 $0x0;
	s1 =	simm.s32 $0x0;
	[tilespmem:s26+$0x10060] =	vst v0  }
0x21d: {  	s4 =	sand.u32 $0x4000, s0;
	s0 =	sand.u32 $0x3C00, s0;
	_ =	swait.ge [sflag:s21], $0x8000  }
0x21e: {  	s1 =	sand.u32 $0x380, s1;
	s0 =	sor.u32 s0, s4;
	[sflag:s21] =	ssyncset.done $0x0  }
0x21f: {  	s28 =	sor.u32 s1, s0;
	[sflag:s21] =	ssyncadd.s32 $0xFFFF8000  }
0x220: {  	v0 =	vld [tilespmem:s28+$0x70]  }
0x221: {  	v1 =	vld [tilespmem:s28+$0x0]  }
0x222: {  	v2 =	vld [tilespmem:s28+$0x10]  }
0x223: {  	v6 =	vld [tilespmem:s28+$0x40]  }
0x224: {  	s4 =	simm.s32 $0x80;
	s26 =	simm.s32 $0x400;
	v3 =	vld [tilespmem:s28+$0x20]  }
0x225: {  	s29 =	simm.s32 $0x8;
	s1 =	sand.u32 $0x4000, s4;
	s0 =	sand.u32 $0x3C00, s26;
	v5 =	vld [tilespmem:s28+$0x30];
	v0 =	vmul.f32 $2.209708650e-02, v0  }
0x226: {  	s26 =	sand.u32 $0x380, s29;
	s0 =	sor.u32 s0, s1;
	v7 =	vld [tilespmem:s28+$0x50];
	v1 =	vmul.f32 $2.209708650e-02, v1  }
0x227: {  	s26 =	sor.u32 s26, s0;
	v9 =	vld [tilespmem:s28+$0x60];
	v8 =	vmul.f32 $2.209708650e-02, v2;
	[tilespmem:s28+$0x70] =	vst v0  }
0x228: {  	v4 =	vld [tilespmem:s26+$0x70];
	v6 =	vmul.f32 $2.209708650e-02, v6;
	[tilespmem:s28+$0x0] =	vst v1  }
0x229: {  	v2 =	vld [tilespmem:s26+$0x0];
	v0 =	vmul.f32 $2.209708650e-02, v3;
	[tilespmem:s28+$0x10] =	vst v8  }
0x22a: {  	v1 =	vmul.f32 $2.209708650e-02, v5;
	v3 =	vld [tilespmem:s26+$0x10];
	[tilespmem:s28+$0x40] =	vst v6  }
0x22b: {  	v5 =	vmul.f32 $2.209708650e-02, v7;
	[tilespmem:s28+$0x20] =	vst v0;
	v0 =	vld [tilespmem:s26+$0x20]  }
0x22c: {  	s30 =	simm.s32 $0x800;
	s31 =	simm.s32 $0x100;
	v6 =	vmul.f32 $2.209708650e-02, v9;
	[tilespmem:s28+$0x30] =	vst v1;
	v1 =	vld [tilespmem:s26+$0x30]  }
.LBB2_32:
0x22d: {  	s29 =	sadd.s32 $0x8, s29;
	s0 =	sand.u32 $0x4000, s31;
	s1 =	sand.u32 $0x3C00, s30;
	v7 =	vld [tilespmem:s26+$0x40];
	v4 =	vmul.f32 $2.209708650e-02, v4;
	[tilespmem:s28+$0x50] =	vst v5  }
0x22e: {  	s4 =	sand.u32 $0x380, s29;
	s0 =	sor.u32 s1, s0;
	p0 =	slt.u32 s29, $0x7F8;
	v2 =	vmul.f32 $2.209708650e-02, v2;
	v5 =	vld [tilespmem:s26+$0x50];
	[tilespmem:s28+$0x60] =	vst v6  }
0x22f: {  	s28 =	smov.u32 s26;
	v3 =	vmul.f32 $2.209708650e-02, v3;
	v6 =	vld [tilespmem:s26+$0x60];
	[tilespmem:s26+$0x70] =	vst v4;
	s26 =	sor.u32 s4, s0  }
.Ltmp15:
0x230: {  	v4 =	vld [tilespmem:s26+$0x70];
	[tilespmem:s28+$0x0] =	vst v2;
	v0 =	vmul.f32 $2.209708650e-02, v0;
	(pc) =	sbr.rel @p0 .LBB2_32-.Ltmp15, $4  }
0x231: {  	v2 =	vld [tilespmem:s26+$0x0];
	[tilespmem:s28+$0x10] =	vst v3;
	v1 =	vmul.f32 $2.209708650e-02, v1  }
0x232: {  	v3 =	vld [tilespmem:s26+$0x10];
	[tilespmem:s28+$0x20] =	vst v0;
	v7 =	vmul.f32 $2.209708650e-02, v7  }
0x233: {  	v0 =	vld [tilespmem:s26+$0x20];
	[tilespmem:s28+$0x30] =	vst v1;
	v5 =	vmul.f32 $2.209708650e-02, v5  }
0x234: {  	s30 =	sadd.s32 $0x400, s30;
	s31 =	sadd.s32 $0x80, s31;
	v1 =	vld [tilespmem:s26+$0x30];
	[tilespmem:s28+$0x40] =	vst v7;
	v6 =	vmul.f32 $2.209708650e-02, v6  }
0x235: {  	v7 =	vld [tilespmem:s26+$0x40];
	v4 =	vmul.f32 $2.209708650e-02, v4;
	[tilespmem:s28+$0x50] =	vst v5  }
0x236: {  	v59 =	vld [tilespmem:s26+$0x50];
	v2 =	vmul.f32 $2.209708650e-02, v2;
	[tilespmem:s28+$0x60] =	vst v6  }
0x237: {  	v60 =	vld [tilespmem:s26+$0x60];
	v3 =	vmul.f32 $2.209708650e-02, v3;
	[tilespmem:s26+$0x70] =	vst v4  }
0x238: {  	s25 =	sadd.s32 $0x1, s25;
	[tilespmem:s26+$0x0] =	vst v2;
	v0 =	vmul.f32 $2.209708650e-02, v0  }
0x239: {  	p0 =	sne.s32 s25, s19;
	[tilespmem:s26+$0x10] =	vst v3;
	v1 =	vmul.f32 $2.209708650e-02, v1  }
.Ltmp16:
0x23a: {  	[tilespmem:s26+$0x20] =	vst v0;
	v61 =	vmul.f32 $2.209708650e-02, v7;
	(pc) =	sbr.rel @p0 .LBB2_1-.Ltmp16, $4  }
0x23b: {  	v62 =	vmul.f32 $2.209708650e-02, v59;
	[tilespmem:s26+$0x30] =	vst v1  }
0x23c: {  	v63 =	vmul.f32 $2.209708650e-02, v60;
	[tilespmem:s26+$0x40] =	vst v61  }
0x23d: {  	[tilespmem:s26+$0x50] =	vst v62  }
0x23e: {  	[tilespmem:s26+$0x60] =	vst v63  }
0x23f: {  	_ =	sfence.sel $0x180000  }
0x240: {  	[bflag:$0x0] =	sbarrier.arrive $0xFFFF  }
0x241: {  	_ =	strace $0x90000047  }
0x242: {  	s0 =	stileid.u32;
	[bflag:$0x2] =	sbarrier.arrive $0xFFFF  }
0x243: {  	p0 =	sne.s32 s0, $0x0;
	s0 =	rddreg [dreg:$0x1]  }
0x244: {  	s0 =	sadd.s32 @!p0 $0x100000, s0  }
0x245: {  	[sflag:s0] =	ssyncadd.tile.s32 @!p0 $0x1;
	_ =	shalt  }
.Lfunc_end2:
_tile_overlayer_lowered:
.L_overlay_start_2:
0x246: {  	(tag) =	ssettag $0x2  }
0x247: {  	s0 =	rddreg [dreg:$0x0];
	s2 =	stileid.u32  }
0x248: {  	s1 =	rddreg [dreg:$0x1];
	p0 =	sne.s32 s2, $0x0  }
0x249: {  	s3 =	rddreg [dreg:$0x2];
	[bflag:$0x3] =	sbarrier.arrive $0xFFFF;
	s2 =	simm.s32 @!p0 $0x1C04  }
0x24a: {  	[timem:s3], [sflag:s2] =	dma.local @!p0 [hbm:s0], s1  }
0x24b: {  	s0 =	simm.s32 @!p0 $0x4  }
0x24c: {  	_ =	swait.ge @!p0 [sflag:s0], s1  }
0x24d: {  	s1 =	ssub.s32 @!p0 $0x0, s1;
	[sflag:s0] =	ssyncset.done @!p0 $0x0  }
0x24e: {  	[sflag:s0] =	ssyncadd.s32 @!p0 s1  }
0x24f: {  	[bflag:$0x3] =	sbarrier.arrive $0xFFFF  }
0x250: {  	_ =	shalt  }

</sc_bundles>
